<compile_context>
chip_gen: v7x
topology: tpu7x:2x2x1
jax: 0.10.2.dev20260603
libtpu: 0.0.44.dev20260713+nightly
codegen_flags: <defaults>
</compile_context>

<pallas_src>
import functools

import jax
import jax.numpy as jnp
from jax import lax
from jax.experimental import pallas as pl
from jax.experimental.pallas import tpu as pltpu
from jax.experimental.pallas import tpu_sc as plsc




def _pick_chunk(epw, maxk=128):
    for k in range(maxk, 7, -8):
        if epw % k == 0:
            return k
    raise ValueError(f"edges-per-tile {epw} has no valid chunk size")


def _make_deg_kernel(E, Np, NC, NS):
    NW = NC * NS
    epw = E // NW
    K = _pick_chunk(epw, maxk=80)
    nchunk = epw // K
    rpt = Np // NS
    mesh = plsc.VectorSubcoreMesh(core_axis_name="c", subcore_axis_name="s")

    @functools.partial(
        pl.kernel,
        out_type=jax.ShapeDtypeStruct((NC * Np,), jnp.float32),
        mesh=mesh,
        scratch_types=[
            pltpu.VMEM((nchunk, K), jnp.int32),
            pltpu.VMEM((K,), jnp.float32),
            pltpu.VMEM((rpt,), jnp.float32),
            pltpu.VMEM_SHARED((Np,), jnp.float32),
        ],
    )
    def deg_kernel(dst_hbm, out_hbm, didx, ones, stage, accd):
        cid = lax.axis_index("c")
        sid = lax.axis_index("s")
        wid = cid * NS + sid
        sl = pl.ds(sid * rpt, rpt)

        def zero_body(i, carry):
            stage[pl.ds(i * 16, 16)] = jnp.zeros((16,), jnp.float32)
            return carry

        lax.fori_loop(0, rpt // 16, zero_body, 0)
        pltpu.sync_copy(stage, accd.at[sl])
        pltpu.sync_copy(dst_hbm.at[wid], didx)
        for k in range(K // 16):
            ones[pl.ds(k * 16, 16)] = jnp.ones((16,), jnp.float32)
        plsc.subcore_barrier()

        def body(j, carry):
            pltpu.sync_copy(ones, accd.at[didx.at[j]], add=True)
            return carry

        lax.fori_loop(0, nchunk, body, 0)
        plsc.subcore_barrier()
        pltpu.sync_copy(accd.at[sl], stage)
        pltpu.sync_copy(stage, out_hbm.at[pl.ds(cid * Np + sid * rpt, rpt)])

    return deg_kernel


def _make_agg_kernel(N, Dh, E, NC, NS):
    NW = NC * NS
    epw = E // NW
    K = _pick_chunk(epw, maxk=80)
    nchunk = epw // K
    rpt = N // NS
    mesh = plsc.VectorSubcoreMesh(core_axis_name="c", subcore_axis_name="s")

    @functools.partial(
        pl.kernel,
        out_type=jax.ShapeDtypeStruct((NC, N, Dh), jnp.float32),
        mesh=mesh,
        scratch_types=[
            pltpu.VMEM((nchunk, K), jnp.int32),
            pltpu.VMEM((nchunk, K), jnp.int32),
            pltpu.VMEM((K, Dh), jnp.float32),
            pltpu.VMEM((K, Dh), jnp.float32),
            pltpu.VMEM_SHARED((N, Dh), jnp.float32),
            pltpu.SemaphoreType.DMA,
            pltpu.SemaphoreType.DMA,
        ],
        compiler_params=pltpu.CompilerParams(use_tc_tiling_on_sc=False),
    )
    def agg_kernel(y_hbm, src_hbm, dst_hbm, zeros_hbm, out_hbm,
                   sidx, didx, rows_a, rows_b, acc, sem_a, sem_b):
        cid = lax.axis_index("c")
        sid = lax.axis_index("s")
        wid = cid * NS + sid
        R0 = 8 * (N // (8 * NS))
        rem = N - NS * R0

        def each_slice(fn):
            fn(pl.ds(sid * R0, R0))
            if rem:
                @pl.when(sid == NS - 1)
                def _():
                    fn(pl.ds(NS * R0, rem))

        @pl.when(cid == 0)
        def _():
            each_slice(lambda sl: pltpu.sync_copy(y_hbm.at[sl], acc.at[sl]))

        @pl.when(cid != 0)
        def _():
            each_slice(lambda sl: pltpu.sync_copy(zeros_hbm.at[sl], acc.at[sl]))

        pltpu.sync_copy(src_hbm.at[wid], sidx)
        pltpu.sync_copy(dst_hbm.at[wid], didx)
        plsc.subcore_barrier()

        half = nchunk // 2
        pltpu.async_copy(y_hbm.at[sidx.at[0]], rows_a, sem_a)

        def body(g, carry):
            c0 = 2 * g
            pltpu.async_copy(y_hbm.at[sidx.at[c0 + 1]], rows_b, sem_b)
            pltpu.make_async_copy(y_hbm.at[sidx.at[c0]], rows_a, sem_a).wait()
            pltpu.sync_copy(rows_a, acc.at[didx.at[c0]], add=True)
            if nchunk % 2:
                pltpu.async_copy(y_hbm.at[sidx.at[c0 + 2]], rows_a, sem_a)
            else:
                @pl.when(c0 + 2 < nchunk)
                def _():
                    pltpu.async_copy(y_hbm.at[sidx.at[c0 + 2]], rows_a, sem_a)
            pltpu.make_async_copy(y_hbm.at[sidx.at[c0 + 1]], rows_b, sem_b).wait()
            pltpu.sync_copy(rows_b, acc.at[didx.at[c0 + 1]], add=True)
            return carry

        lax.fori_loop(0, half, body, 0)
        if nchunk % 2:
            j = nchunk - 1
            pltpu.make_async_copy(y_hbm.at[sidx.at[j]], rows_a, sem_a).wait()
            pltpu.sync_copy(rows_a, acc.at[didx.at[j]], add=True)
        plsc.subcore_barrier()
        each_slice(lambda sl: pltpu.sync_copy(acc.at[sl], out_hbm.at[cid, sl]))

    return agg_kernel




def _dinv_of(d_ref):
    return lax.rsqrt(d_ref[:, 0:1] + d_ref[:, 1:2] + 1.0)


def _mm_scale(x, W, degT, blk):
    N, Dx = x.shape
    Dh = W.shape[1]

    def body(x_ref, w_ref, d_ref, o_ref):
        xw = jnp.dot(x_ref[...], w_ref[...], preferred_element_type=jnp.float32)
        o_ref[...] = xw * _dinv_of(d_ref)

    return pl.pallas_call(
        body,
        grid=(N // blk,),
        in_specs=[
            pl.BlockSpec((blk, Dx), lambda i: (i, 0)),
            pl.BlockSpec((Dx, Dh), lambda i: (0, 0)),
            pl.BlockSpec((blk, 2), lambda i: (i, 0)),
        ],
        out_specs=pl.BlockSpec((blk, Dh), lambda i: (i, 0)),
        out_shape=jax.ShapeDtypeStruct((N, Dh), jnp.float32),
    )(x, W, degT)


def _mid_layer(p, degT, b1, Wcat, blk):
    _, N, Dh = p.shape
    D2 = Wcat.shape[1]

    def body(p_ref, d_ref, b_ref, w_ref, o_ref):
        dinv = _dinv_of(d_ref)
        h = jnp.maximum(dinv * (p_ref[0] + p_ref[1]) + b_ref[...], 0.0)
        o_ref[...] = jnp.dot(h, w_ref[...], preferred_element_type=jnp.float32) * dinv

    return pl.pallas_call(
        body,
        grid=(N // blk,),
        in_specs=[
            pl.BlockSpec((2, blk, Dh), lambda i: (0, i, 0)),
            pl.BlockSpec((blk, 2), lambda i: (i, 0)),
            pl.BlockSpec((1, Dh), lambda i: (0, 0)),
            pl.BlockSpec((Dh, D2), lambda i: (0, 0)),
        ],
        out_specs=pl.BlockSpec((blk, D2), lambda i: (i, 0)),
        out_shape=jax.ShapeDtypeStruct((N, D2), jnp.float32),
    )(p, degT, b1, Wcat)


def _final_layer(q, degT, bmu, blog, blk, L):
    _, N, D2 = q.shape

    def body(q_ref, d_ref, bm_ref, bl_ref, mu_ref, lg_ref):
        s = _dinv_of(d_ref) * (q_ref[0] + q_ref[1])
        mu_ref[...] = s[:, :L] + bm_ref[...]
        lg_ref[...] = s[:, L:] + bl_ref[...]

    return pl.pallas_call(
        body,
        grid=(N // blk,),
        in_specs=[
            pl.BlockSpec((2, blk, D2), lambda i: (0, i, 0)),
            pl.BlockSpec((blk, 2), lambda i: (i, 0)),
            pl.BlockSpec((1, L), lambda i: (0, 0)),
            pl.BlockSpec((1, L), lambda i: (0, 0)),
        ],
        out_specs=[
            pl.BlockSpec((blk, L), lambda i: (i, 0)),
            pl.BlockSpec((blk, L), lambda i: (i, 0)),
        ],
        out_shape=[
            jax.ShapeDtypeStruct((N, L), jnp.float32),
            jax.ShapeDtypeStruct((N, L), jnp.float32),
        ],
    )(q, degT, bmu[None, :], blog[None, :])




def kernel(x, edge_index, W1, b1, Wmu, bmu, Wlog, blog):
    N, D = x.shape
    E = edge_index.shape[1]
    try:
        info = plsc.get_sparse_core_info()
        NC, NS = info.num_cores, info.num_subcores
    except Exception:
        NC, NS = 2, 16
    NW = NC * NS
    assert E % NW == 0, (E, NW)
    epw = E // NW
    K = _pick_chunk(epw, maxk=80)
    nchunk = epw // K

    Np = ((N + 16 * NS - 1) // (16 * NS)) * (16 * NS)

    src3 = edge_index[0].reshape(NW, nchunk, K)
    dst3 = edge_index[1].reshape(NW, nchunk, K)

    deg_k = _make_deg_kernel(E, Np, NC, NS)
    degp = deg_k(dst3).reshape(NC, Np)
    degT = degp[:, :N].T

    zeros_nd = jnp.zeros((N, D), jnp.float32)
    blk = 2000 if N % 2000 == 0 else 8 * (N // 8)

    y1 = _mm_scale(x, W1, degT, blk)

    agg_k = _make_agg_kernel(N, W1.shape[1], E, NC, NS)
    p = agg_k(y1, src3, dst3, zeros_nd)

    Wcat = jnp.concatenate([Wmu, Wlog], axis=1)
    y2 = _mid_layer(p, degT, b1[None, :], Wcat, blk)

    q = agg_k(y2, src3, dst3, zeros_nd)

    mu, log = _final_layer(q, degT, bmu, blog, blk, Wmu.shape[1])
    return (mu, log)

# --- scband reference (transcript-rebuilt; emitter-appended) ---
"""Pipeline reference for scband-encoder-63522566308145 (READ-ONLY COPY).

The authoritative reference and input builder live on the scoring server;
editing this copy changes nothing except your own understanding.
"""

import jax, jax.numpy as jnp
import numpy as np

N, E, D, H, L = 10000, 320000, 128, 128, 64

def setup_inputs(seed: int = 0) -> dict:
    key = jax.random.key(seed)
    ks = jax.random.split(key, 8)
    x = jax.random.normal(ks[0], (N, D), dtype=jnp.float32)
    edge_index = jax.random.randint(ks[1], (2, E), 0, N, dtype=jnp.int32)
    W1 = jax.random.normal(ks[2], (D, H), dtype=jnp.float32) * (1.0 / np.sqrt(D))
    b1 = jnp.zeros((H,), dtype=jnp.float32)
    Wmu = jax.random.normal(ks[3], (H, L), dtype=jnp.float32) * (1.0 / np.sqrt(H))
    bmu = jnp.zeros((L,), dtype=jnp.float32)
    Wlog = jax.random.normal(ks[4], (H, L), dtype=jnp.float32) * (1.0 / np.sqrt(H))
    blog = jnp.zeros((L,), dtype=jnp.float32)
    return {"x": x, "edge_index": edge_index, "W1": W1, "b1": b1, "Wmu": Wmu, "bmu": bmu, "Wlog": Wlog, "blog": blog}

def _gcn_conv(x, src, dst, norm, W, b):
    # GCNConv: linear transform, then normalized scatter-add aggregation, then bias
    xw = x @ W
    msg = jnp.take(xw, src, axis=0) * norm[:, None]
    out = jnp.zeros((x.shape[0], W.shape[1]), dtype=x.dtype).at[dst].add(msg)
    return out + b

def _sym_norm(edge_index, n):
    # add self loops, symmetric normalization deg^-1/2[src]*deg^-1/2[dst]
    loop = jnp.arange(n, dtype=edge_index.dtype)
    src = jnp.concatenate([edge_index[0], loop])
    dst = jnp.concatenate([edge_index[1], loop])
    deg = jnp.zeros((n,), dtype=jnp.float32).at[dst].add(1.0)
    dinv = jnp.where(deg > 0, 1.0 / jnp.sqrt(deg), 0.0)
    norm = dinv[src] * dinv[dst]
    return src, dst, norm

def reference(x, edge_index, W1, b1, Wmu, bmu, Wlog, blog):
    src, dst, norm = _sym_norm(edge_index, x.shape[0])
    h = _gcn_conv(x, src, dst, norm, W1, b1)
    h = jax.nn.relu(h)
    # dropout is identity in eval mode (training=False)
    mu = _gcn_conv(h, src, dst, norm, Wmu, bmu)
    log = _gcn_conv(h, src, dst, norm, Wlog, blog)
    return (mu, log)

if __name__ == "__main__":
    import jax
    _d = setup_inputs()
    print(jax.jit(kernel)(*tuple(_d.values())))

</pallas_src>

<mosaic_0001>
#map = affine_map<(d0, d1) -> (0, 0, 0)>
#map1 = affine_map<(d0, d1) -> (0)>
module attributes {stable_mosaic.version = 14 : i64} {
  func.func @deg_kernel(%arg0: i32, %arg1: i32, %arg2: memref<32x125x80xi32, #tpu.memory_space<hbm>>, %arg3: memref<20480xf32, #tpu.memory_space<hbm>>, %arg4: memref<125x80xi32, #tpu.memory_space<vmem>>, %arg5: memref<80xf32, #tpu.memory_space<vmem>>, %arg6: memref<640xf32, #tpu.memory_space<vmem>>, %arg7: memref<10240xf32, #tpu.memory_space<vmem_shared>>) attributes {dimension_semantics = [#tpu.dimension_semantics<core_parallel>, #tpu.dimension_semantics<subcore_parallel>], iteration_bounds = array<i64: 2, 16>, scalar_prefetch = 0 : i64, scratch_operands = 4 : i64, tpu.core_type = #tpu.core_type<sc_vector_subcore>, window_params = [{transform_indices = #map}, {transform_indices = #map1}]} {
    %mul3A = arith.constant 16 : i32
    %mul3A_0 = arith.muli %arg0, %mul3A : i32
    %add3A = arith.addi %mul3A_0, %arg1 : i32
    %mul3A_1 = arith.constant 640 : i32
    %mul3A_2 = arith.muli %arg1, %mul3A_1 : i32
    %scan3A = arith.constant 0 : i32
    %scan3A_3 = arith.constant 0 : i32
    %scan3A_4 = arith.constant 40 : i32
    %scan3A_5 = arith.addi %scan3A_3, %scan3A_4 : i32
    %scan3A_6 = arith.constant 1 : i32
    scf.for %scan3A_48 = %scan3A_3 to %scan3A_5 step %scan3A_6  : i32 {
      %broadcast_in_dim3A_49 = arith.constant 0.000000e+00 : f32
      %broadcast_in_dim3A_50 = vector.broadcast %broadcast_in_dim3A_49 : f32 to vector<16xf32>
      %mul3A_51 = arith.constant 16 : i32
      %mul3A_52 = arith.muli %scan3A_48, %mul3A_51 : i32
      %swap3A_53 = arith.index_cast %mul3A_52 : i32 to index
      %swap3A_54 = tpu.vector_load %arg6[%swap3A_53] {strides = array<i32>} : memref<640xf32, #tpu.memory_space<vmem>>, vector<16xf32>,
      %swap3A_55 = vector.shape_cast %swap3A_54 : vector<16xf32> to vector<16xf32>
      %swap3A_56 = vector.shape_cast %broadcast_in_dim3A_50 : vector<16xf32> to vector<16xf32>
      tpu.vector_store %arg6[%swap3A_53], %swap3A_56 {strides = array<i32>} : memref<640xf32, #tpu.memory_space<vmem>>, vector<16xf32>,
    }
    %scan3A_7 = arith.constant 40 : i32
    "tpu.region"() ({
      %run_scoped3A = tpu.sem_alloc : memref<!tpu.dma_semaphore, #tpu.memory_space<semaphore_mem>>
      %dma_start3A = tpu.memref_slice %arg7[%mul3A_2] : memref<10240xf32, #tpu.memory_space<vmem_shared>> -> memref<640xf32, #tpu.memory_space<vmem_shared>>
      %dma_start3A_48 = tpu.memref_slice %arg7[%mul3A_2] : memref<10240xf32, #tpu.memory_space<vmem_shared>> -> memref<640xf32, #tpu.memory_space<vmem_shared>>
      tpu.enqueue_dma source(%arg6 : memref<640xf32, #tpu.memory_space<vmem>>) target(%dma_start3A_48 : memref<640xf32, #tpu.memory_space<vmem_shared>>) target_semaphore(%run_scoped3A : memref<!tpu.dma_semaphore, #tpu.memory_space<semaphore_mem>>)
      %dma_wait3A = tpu.memref_slice %arg7[%mul3A_2] : memref<10240xf32, #tpu.memory_space<vmem_shared>> -> memref<640xf32, #tpu.memory_space<vmem_shared>>
      %dma_wait3A_49 = tpu.memref_slice %arg7[%mul3A_2] : memref<10240xf32, #tpu.memory_space<vmem_shared>> -> memref<640xf32, #tpu.memory_space<vmem_shared>>
      tpu.wait_dma2 semaphore(%run_scoped3A : memref<!tpu.dma_semaphore, #tpu.memory_space<semaphore_mem>>) src(%arg6 : memref<640xf32, #tpu.memory_space<vmem>>) dst(%dma_wait3A_49 : memref<640xf32, #tpu.memory_space<vmem_shared>>)
      tpu.yield
    }) : () -> ()
    "tpu.region"() ({
      %run_scoped3A = tpu.sem_alloc : memref<!tpu.dma_semaphore, #tpu.memory_space<semaphore_mem>>
      %dma_start3A = arith.constant 0 : i32
      %dma_start3A_48 = arith.constant 0 : i32
      %dma_start3A_49 = tpu.memref_slice %arg2[%add3A, %dma_start3A, %dma_start3A_48] : memref<32x125x80xi32, #tpu.memory_space<hbm>> -> memref<1x125x80xi32, #tpu.memory_space<hbm>>
      %dma_start3A_50 = tpu.memref_squeeze %dma_start3A_49 : memref<1x125x80xi32, #tpu.memory_space<hbm>> -> memref<125x80xi32, #tpu.memory_space<hbm>>
      %dma_start3A_51 = arith.constant 0 : i32
      %dma_start3A_52 = arith.constant 0 : i32
      %dma_start3A_53 = tpu.memref_slice %arg2[%add3A, %dma_start3A_51, %dma_start3A_52] : memref<32x125x80xi32, #tpu.memory_space<hbm>> -> memref<1x125x80xi32, #tpu.memory_space<hbm>>
      %dma_start3A_54 = tpu.memref_squeeze %dma_start3A_53 : memref<1x125x80xi32, #tpu.memory_space<hbm>> -> memref<125x80xi32, #tpu.memory_space<hbm>>
      tpu.enqueue_dma source(%dma_start3A_54 : memref<125x80xi32, #tpu.memory_space<hbm>>) target(%arg4 : memref<125x80xi32, #tpu.memory_space<vmem>>) target_semaphore(%run_scoped3A : memref<!tpu.dma_semaphore, #tpu.memory_space<semaphore_mem>>)
      %dma_wait3A = arith.constant 0 : i32
      %dma_wait3A_55 = arith.constant 0 : i32
      %dma_wait3A_56 = tpu.memref_slice %arg2[%add3A, %dma_wait3A, %dma_wait3A_55] : memref<32x125x80xi32, #tpu.memory_space<hbm>> -> memref<1x125x80xi32, #tpu.memory_space<hbm>>
      %dma_wait3A_57 = tpu.memref_squeeze %dma_wait3A_56 : memref<1x125x80xi32, #tpu.memory_space<hbm>> -> memref<125x80xi32, #tpu.memory_space<hbm>>
      %dma_wait3A_58 = arith.constant 0 : i32
      %dma_wait3A_59 = arith.constant 0 : i32
      %dma_wait3A_60 = tpu.memref_slice %arg2[%add3A, %dma_wait3A_58, %dma_wait3A_59] : memref<32x125x80xi32, #tpu.memory_space<hbm>> -> memref<1x125x80xi32, #tpu.memory_space<hbm>>
      %dma_wait3A_61 = tpu.memref_squeeze %dma_wait3A_60 : memref<1x125x80xi32, #tpu.memory_space<hbm>> -> memref<125x80xi32, #tpu.memory_space<hbm>>
      tpu.wait_dma2 semaphore(%run_scoped3A : memref<!tpu.dma_semaphore, #tpu.memory_space<semaphore_mem>>) src(%dma_wait3A_61 : memref<125x80xi32, #tpu.memory_space<hbm>>) dst(%arg4 : memref<125x80xi32, #tpu.memory_space<vmem>>)
      tpu.yield
    }) : () -> ()
    %broadcast_in_dim3A = arith.constant 1.000000e+00 : f32
    %broadcast_in_dim3A_8 = vector.broadcast %broadcast_in_dim3A : f32 to vector<16xf32>
    %swap3A = arith.constant 0 : index
    %swap3A_9 = tpu.vector_load %arg5[%swap3A] {strides = array<i32>} : memref<80xf32, #tpu.memory_space<vmem>>, vector<16xf32>,
    %swap3A_10 = vector.shape_cast %swap3A_9 : vector<16xf32> to vector<16xf32>
    %swap3A_11 = vector.shape_cast %broadcast_in_dim3A_8 : vector<16xf32> to vector<16xf32>
    tpu.vector_store %arg5[%swap3A], %swap3A_11 {strides = array<i32>} : memref<80xf32, #tpu.memory_space<vmem>>, vector<16xf32>,
    %broadcast_in_dim3A_12 = arith.constant 1.000000e+00 : f32
    %broadcast_in_dim3A_13 = vector.broadcast %broadcast_in_dim3A_12 : f32 to vector<16xf32>
    %swap3A_14 = arith.constant 16 : index
    %swap3A_15 = tpu.vector_load %arg5[%swap3A_14] {strides = array<i32>} : memref<80xf32, #tpu.memory_space<vmem>>, vector<16xf32>,
    %swap3A_16 = vector.shape_cast %swap3A_15 : vector<16xf32> to vector<16xf32>
    %swap3A_17 = vector.shape_cast %broadcast_in_dim3A_13 : vector<16xf32> to vector<16xf32>
    tpu.vector_store %arg5[%swap3A_14], %swap3A_17 {strides = array<i32>} : memref<80xf32, #tpu.memory_space<vmem>>, vector<16xf32>,
    %broadcast_in_dim3A_18 = arith.constant 1.000000e+00 : f32
    %broadcast_in_dim3A_19 = vector.broadcast %broadcast_in_dim3A_18 : f32 to vector<16xf32>
    %swap3A_20 = arith.constant 32 : index
    %swap3A_21 = tpu.vector_load %arg5[%swap3A_20] {strides = array<i32>} : memref<80xf32, #tpu.memory_space<vmem>>, vector<16xf32>,
    %swap3A_22 = vector.shape_cast %swap3A_21 : vector<16xf32> to vector<16xf32>
    %swap3A_23 = vector.shape_cast %broadcast_in_dim3A_19 : vector<16xf32> to vector<16xf32>
    tpu.vector_store %arg5[%swap3A_20], %swap3A_23 {strides = array<i32>} : memref<80xf32, #tpu.memory_space<vmem>>, vector<16xf32>,
    %broadcast_in_dim3A_24 = arith.constant 1.000000e+00 : f32
    %broadcast_in_dim3A_25 = vector.broadcast %broadcast_in_dim3A_24 : f32 to vector<16xf32>
    %swap3A_26 = arith.constant 48 : index
    %swap3A_27 = tpu.vector_load %arg5[%swap3A_26] {strides = array<i32>} : memref<80xf32, #tpu.memory_space<vmem>>, vector<16xf32>,
    %swap3A_28 = vector.shape_cast %swap3A_27 : vector<16xf32> to vector<16xf32>
    %swap3A_29 = vector.shape_cast %broadcast_in_dim3A_25 : vector<16xf32> to vector<16xf32>
    tpu.vector_store %arg5[%swap3A_26], %swap3A_29 {strides = array<i32>} : memref<80xf32, #tpu.memory_space<vmem>>, vector<16xf32>,
    %broadcast_in_dim3A_30 = arith.constant 1.000000e+00 : f32
    %broadcast_in_dim3A_31 = vector.broadcast %broadcast_in_dim3A_30 : f32 to vector<16xf32>
    %swap3A_32 = arith.constant 64 : index
    %swap3A_33 = tpu.vector_load %arg5[%swap3A_32] {strides = array<i32>} : memref<80xf32, #tpu.memory_space<vmem>>, vector<16xf32>,
    %swap3A_34 = vector.shape_cast %swap3A_33 : vector<16xf32> to vector<16xf32>
    %swap3A_35 = vector.shape_cast %broadcast_in_dim3A_31 : vector<16xf32> to vector<16xf32>
    tpu.vector_store %arg5[%swap3A_32], %swap3A_35 {strides = array<i32>} : memref<80xf32, #tpu.memory_space<vmem>>, vector<16xf32>,
    %barrier3A = arith.constant 0 : index
    tpu.barrier barrier_id(%barrier3A)
    %scan3A_36 = arith.constant 0 : i32
    %scan3A_37 = arith.constant 0 : i32
    %scan3A_38 = arith.constant 125 : i32
    %scan3A_39 = arith.addi %scan3A_37, %scan3A_38 : i32
    %scan3A_40 = arith.constant 1 : i32
    scf.for %scan3A_48 = %scan3A_37 to %scan3A_39 step %scan3A_40  : i32 {
      "tpu.region"() ({
        %run_scoped3A = tpu.sem_alloc : memref<!tpu.dma_semaphore, #tpu.memory_space<semaphore_mem>>
        %dma_start3A = arith.constant 0 : i32
        %dma_start3A_49 = tpu.memref_slice %arg4[%scan3A_48, %dma_start3A] : memref<125x80xi32, #tpu.memory_space<vmem>> -> memref<1x80xi32, #tpu.memory_space<vmem>>
        %dma_start3A_50 = tpu.memref_squeeze %dma_start3A_49 : memref<1x80xi32, #tpu.memory_space<vmem>> -> memref<80xi32, #tpu.memory_space<vmem>>
        %dma_start3A_51 = arith.constant 0 : i32
        %dma_start3A_52 = tpu.memref_slice %arg7[%dma_start3A_51] : memref<10240xf32, #tpu.memory_space<vmem_shared>> -> memref<10240xf32, #tpu.memory_space<vmem_shared>>
        tpu.enqueue_indirect_dma source(%arg5 : memref<80xf32, #tpu.memory_space<vmem>>) target(%dma_start3A_52 : memref<10240xf32, #tpu.memory_space<vmem_shared>>) offsets(%dma_start3A_50 : memref<80xi32, #tpu.memory_space<vmem>>) semaphore(%run_scoped3A : memref<!tpu.dma_semaphore, #tpu.memory_space<semaphore_mem>>) {add = true}
        %dma_wait3A = arith.constant 0 : i32
        %dma_wait3A_53 = tpu.memref_slice %arg4[%scan3A_48, %dma_wait3A] : memref<125x80xi32, #tpu.memory_space<vmem>> -> memref<1x80xi32, #tpu.memory_space<vmem>>
        %dma_wait3A_54 = tpu.memref_squeeze %dma_wait3A_53 : memref<1x80xi32, #tpu.memory_space<vmem>> -> memref<80xi32, #tpu.memory_space<vmem>>
        %dma_wait3A_55 = arith.constant 0 : i32
        %dma_wait3A_56 = tpu.memref_slice %arg7[%dma_wait3A_55] : memref<10240xf32, #tpu.memory_space<vmem_shared>> -> memref<10240xf32, #tpu.memory_space<vmem_shared>>
        tpu.wait_indirect_dma semaphore(%run_scoped3A : memref<!tpu.dma_semaphore, #tpu.memory_space<semaphore_mem>>) src(%arg5 : memref<80xf32, #tpu.memory_space<vmem>>) dst(%dma_wait3A_56 : memref<10240xf32, #tpu.memory_space<vmem_shared>>)
        tpu.yield
      }) : () -> ()
    }
    %scan3A_41 = arith.constant 125 : i32
    %barrier3A_42 = arith.constant 0 : index
    tpu.barrier barrier_id(%barrier3A_42)
    "tpu.region"() ({
      %run_scoped3A = tpu.sem_alloc : memref<!tpu.dma_semaphore, #tpu.memory_space<semaphore_mem>>
      %dma_start3A = tpu.memref_slice %arg7[%mul3A_2] : memref<10240xf32, #tpu.memory_space<vmem_shared>> -> memref<640xf32, #tpu.memory_space<vmem_shared>>
      %dma_start3A_48 = tpu.memref_slice %arg7[%mul3A_2] : memref<10240xf32, #tpu.memory_space<vmem_shared>> -> memref<640xf32, #tpu.memory_space<vmem_shared>>
      tpu.enqueue_dma source(%dma_start3A_48 : memref<640xf32, #tpu.memory_space<vmem_shared>>) target(%arg6 : memref<640xf32, #tpu.memory_space<vmem>>) target_semaphore(%run_scoped3A : memref<!tpu.dma_semaphore, #tpu.memory_space<semaphore_mem>>)
      %dma_wait3A = tpu.memref_slice %arg7[%mul3A_2] : memref<10240xf32, #tpu.memory_space<vmem_shared>> -> memref<640xf32, #tpu.memory_space<vmem_shared>>
      %dma_wait3A_49 = tpu.memref_slice %arg7[%mul3A_2] : memref<10240xf32, #tpu.memory_space<vmem_shared>> -> memref<640xf32, #tpu.memory_space<vmem_shared>>
      tpu.wait_dma2 semaphore(%run_scoped3A : memref<!tpu.dma_semaphore, #tpu.memory_space<semaphore_mem>>) src(%dma_wait3A_49 : memref<640xf32, #tpu.memory_space<vmem_shared>>) dst(%arg6 : memref<640xf32, #tpu.memory_space<vmem>>)
      tpu.yield
    }) : () -> ()
    %mul3A_43 = arith.constant 10240 : i32
    %mul3A_44 = arith.muli %arg0, %mul3A_43 : i32
    %mul3A_45 = arith.constant 640 : i32
    %mul3A_46 = arith.muli %arg1, %mul3A_45 : i32
    %add3A_47 = arith.addi %mul3A_44, %mul3A_46 : i32
    "tpu.region"() ({
      %run_scoped3A = tpu.sem_alloc : memref<!tpu.dma_semaphore, #tpu.memory_space<semaphore_mem>>
      %dma_start3A = tpu.memref_slice %arg3[%add3A_47] : memref<20480xf32, #tpu.memory_space<hbm>> -> memref<640xf32, #tpu.memory_space<hbm>>
      %dma_start3A_48 = tpu.memref_slice %arg3[%add3A_47] : memref<20480xf32, #tpu.memory_space<hbm>> -> memref<640xf32, #tpu.memory_space<hbm>>
      tpu.enqueue_dma source(%arg6 : memref<640xf32, #tpu.memory_space<vmem>>) target(%dma_start3A_48 : memref<640xf32, #tpu.memory_space<hbm>>) target_semaphore(%run_scoped3A : memref<!tpu.dma_semaphore, #tpu.memory_space<semaphore_mem>>)
      %dma_wait3A = tpu.memref_slice %arg3[%add3A_47] : memref<20480xf32, #tpu.memory_space<hbm>> -> memref<640xf32, #tpu.memory_space<hbm>>
      %dma_wait3A_49 = tpu.memref_slice %arg3[%add3A_47] : memref<20480xf32, #tpu.memory_space<hbm>> -> memref<640xf32, #tpu.memory_space<hbm>>
      tpu.wait_dma2 semaphore(%run_scoped3A : memref<!tpu.dma_semaphore, #tpu.memory_space<semaphore_mem>>) src(%arg6 : memref<640xf32, #tpu.memory_space<vmem>>) dst(%dma_wait3A_49 : memref<640xf32, #tpu.memory_space<hbm>>)
      tpu.yield
    }) : () -> ()
    return
  }
}

#map = affine_map<(d0, d1) -> (0, 0)>
#map1 = affine_map<(d0, d1) -> (0, 0, 0)>
module attributes {stable_mosaic.version = 14 : i64} {
  func.func @agg_kernel(%arg0: i32, %arg1: i32, %arg2: memref<10000x128xf32, #tpu.memory_space<hbm>>, %arg3: memref<32x125x80xi32, #tpu.memory_space<hbm>>, %arg4: memref<32x125x80xi32, #tpu.memory_space<hbm>>, %arg5: memref<10000x128xf32, #tpu.memory_space<hbm>>, %arg6: memref<2x10000x128xf32, #tpu.memory_space<hbm>>, %arg7: memref<125x80xi32, #tpu.memory_space<vmem>>, %arg8: memref<125x80xi32, #tpu.memory_space<vmem>>, %arg9: memref<80x128xf32, #tpu.memory_space<vmem>>, %arg10: memref<80x128xf32, #tpu.memory_space<vmem>>, %arg11: memref<10000x128xf32, #tpu.memory_space<vmem_shared>>, %arg12: memref<!tpu.dma_semaphore, #tpu.memory_space<semaphore_mem>>, %arg13: memref<!tpu.dma_semaphore, #tpu.memory_space<semaphore_mem>>) attributes {dimension_semantics = [#tpu.dimension_semantics<core_parallel>, #tpu.dimension_semantics<subcore_parallel>], iteration_bounds = array<i64: 2, 16>, scalar_prefetch = 0 : i64, scratch_operands = 7 : i64, tpu.core_type = #tpu.core_type<sc_vector_subcore>, window_params = [{transform_indices = #map}, {transform_indices = #map1}, {transform_indices = #map1}, {transform_indices = #map}, {transform_indices = #map1}]} {
    %mul3A = arith.constant 16 : i32
    %mul3A_0 = arith.muli %arg0, %mul3A : i32
    %add3A = arith.addi %mul3A_0, %arg1 : i32
    %eq3A = arith.constant 0 : i32
    %eq3A_1 = arith.cmpi eq, %arg0, %eq3A : i32
    %convert_element_type3A = arith.extui %eq3A_1 : i1 to i32
    %cond3A = arith.constant 0 : i32
    %cond3A_2 = arith.cmpi ne, %convert_element_type3A, %cond3A : i32
    scf.if %cond3A_2 {
      %mul3A_32 = arith.constant 624 : i32
      %mul3A_33 = arith.muli %arg1, %mul3A_32 : i32
      "tpu.region"() ({
        %run_scoped3A_39 = tpu.sem_alloc : memref<!tpu.dma_semaphore, #tpu.memory_space<semaphore_mem>>
        %dma_start3A_40 = arith.constant 0 : i32
        %dma_start3A_41 = tpu.memref_slice %arg11[%mul3A_33, %dma_start3A_40] : memref<10000x128xf32, #tpu.memory_space<vmem_shared>> -> memref<624x128xf32, #tpu.memory_space<vmem_shared>>
        %dma_start3A_42 = arith.constant 0 : i32
        %dma_start3A_43 = tpu.memref_slice %arg2[%mul3A_33, %dma_start3A_42] : memref<10000x128xf32, #tpu.memory_space<hbm>> -> memref<624x128xf32, #tpu.memory_space<hbm>>
        tpu.enqueue_dma source(%dma_start3A_43 : memref<624x128xf32, #tpu.memory_space<hbm>>) target(%dma_start3A_41 : memref<624x128xf32, #tpu.memory_space<vmem_shared>>) target_semaphore(%run_scoped3A_39 : memref<!tpu.dma_semaphore, #tpu.memory_space<semaphore_mem>>)
        %dma_wait3A_44 = arith.constant 0 : i32
        %dma_wait3A_45 = tpu.memref_slice %arg11[%mul3A_33, %dma_wait3A_44] : memref<10000x128xf32, #tpu.memory_space<vmem_shared>> -> memref<624x128xf32, #tpu.memory_space<vmem_shared>>
        %dma_wait3A_46 = arith.constant 0 : i32
        %dma_wait3A_47 = tpu.memref_slice %arg2[%mul3A_33, %dma_wait3A_46] : memref<10000x128xf32, #tpu.memory_space<hbm>> -> memref<624x128xf32, #tpu.memory_space<hbm>>
        tpu.wait_dma2 semaphore(%run_scoped3A_39 : memref<!tpu.dma_semaphore, #tpu.memory_space<semaphore_mem>>) src(%dma_wait3A_47 : memref<624x128xf32, #tpu.memory_space<hbm>>) dst(%dma_wait3A_45 : memref<624x128xf32, #tpu.memory_space<vmem_shared>>)
        tpu.yield
      }) : () -> ()
      %eq3A_34 = arith.constant 15 : i32
      %eq3A_35 = arith.cmpi eq, %arg1, %eq3A_34 : i32
      %convert_element_type3A_36 = arith.extui %eq3A_35 : i1 to i32
      %cond3A_37 = arith.constant 0 : i32
      %cond3A_38 = arith.cmpi ne, %convert_element_type3A_36, %cond3A_37 : i32
      scf.if %cond3A_38 {
        "tpu.region"() ({
          %run_scoped3A_39 = tpu.sem_alloc : memref<!tpu.dma_semaphore, #tpu.memory_space<semaphore_mem>>
          %dma_start3A_40 = arith.constant 9984 : i32
          %dma_start3A_41 = arith.constant 0 : i32
          %dma_start3A_42 = tpu.memref_slice %arg11[%dma_start3A_40, %dma_start3A_41] : memref<10000x128xf32, #tpu.memory_space<vmem_shared>> -> memref<16x128xf32, #tpu.memory_space<vmem_shared>>
          %dma_start3A_43 = arith.constant 9984 : i32
          %dma_start3A_44 = arith.constant 0 : i32
          %dma_start3A_45 = tpu.memref_slice %arg2[%dma_start3A_43, %dma_start3A_44] : memref<10000x128xf32, #tpu.memory_space<hbm>> -> memref<16x128xf32, #tpu.memory_space<hbm>>
          tpu.enqueue_dma source(%dma_start3A_45 : memref<16x128xf32, #tpu.memory_space<hbm>>) target(%dma_start3A_42 : memref<16x128xf32, #tpu.memory_space<vmem_shared>>) target_semaphore(%run_scoped3A_39 : memref<!tpu.dma_semaphore, #tpu.memory_space<semaphore_mem>>)
          %dma_wait3A_46 = arith.constant 9984 : i32
          %dma_wait3A_47 = arith.constant 0 : i32
          %dma_wait3A_48 = tpu.memref_slice %arg11[%dma_wait3A_46, %dma_wait3A_47] : memref<10000x128xf32, #tpu.memory_space<vmem_shared>> -> memref<16x128xf32, #tpu.memory_space<vmem_shared>>
          %dma_wait3A_49 = arith.constant 9984 : i32
          %dma_wait3A_50 = arith.constant 0 : i32
          %dma_wait3A_51 = tpu.memref_slice %arg2[%dma_wait3A_49, %dma_wait3A_50] : memref<10000x128xf32, #tpu.memory_space<hbm>> -> memref<16x128xf32, #tpu.memory_space<hbm>>
          tpu.wait_dma2 semaphore(%run_scoped3A_39 : memref<!tpu.dma_semaphore, #tpu.memory_space<semaphore_mem>>) src(%dma_wait3A_51 : memref<16x128xf32, #tpu.memory_space<hbm>>) dst(%dma_wait3A_48 : memref<16x128xf32, #tpu.memory_space<vmem_shared>>)
          tpu.yield
        }) : () -> ()
      } else {
      }
    } else {
    }
    %ne3A = arith.constant 0 : i32
    %ne3A_3 = arith.cmpi ne, %arg0, %ne3A : i32
    %convert_element_type3A_4 = arith.extui %ne3A_3 : i1 to i32
    %cond3A_5 = arith.constant 0 : i32
    %cond3A_6 = arith.cmpi ne, %convert_element_type3A_4, %cond3A_5 : i32
    scf.if %cond3A_6 {
      %mul3A_32 = arith.constant 624 : i32
      %mul3A_33 = arith.muli %arg1, %mul3A_32 : i32
      "tpu.region"() ({
        %run_scoped3A_39 = tpu.sem_alloc : memref<!tpu.dma_semaphore, #tpu.memory_space<semaphore_mem>>
        %dma_start3A_40 = arith.constant 0 : i32
        %dma_start3A_41 = tpu.memref_slice %arg11[%mul3A_33, %dma_start3A_40] : memref<10000x128xf32, #tpu.memory_space<vmem_shared>> -> memref<624x128xf32, #tpu.memory_space<vmem_shared>>
        %dma_start3A_42 = arith.constant 0 : i32
        %dma_start3A_43 = tpu.memref_slice %arg5[%mul3A_33, %dma_start3A_42] : memref<10000x128xf32, #tpu.memory_space<hbm>> -> memref<624x128xf32, #tpu.memory_space<hbm>>
        tpu.enqueue_dma source(%dma_start3A_43 : memref<624x128xf32, #tpu.memory_space<hbm>>) target(%dma_start3A_41 : memref<624x128xf32, #tpu.memory_space<vmem_shared>>) target_semaphore(%run_scoped3A_39 : memref<!tpu.dma_semaphore, #tpu.memory_space<semaphore_mem>>)
        %dma_wait3A_44 = arith.constant 0 : i32
        %dma_wait3A_45 = tpu.memref_slice %arg11[%mul3A_33, %dma_wait3A_44] : memref<10000x128xf32, #tpu.memory_space<vmem_shared>> -> memref<624x128xf32, #tpu.memory_space<vmem_shared>>
        %dma_wait3A_46 = arith.constant 0 : i32
        %dma_wait3A_47 = tpu.memref_slice %arg5[%mul3A_33, %dma_wait3A_46] : memref<10000x128xf32, #tpu.memory_space<hbm>> -> memref<624x128xf32, #tpu.memory_space<hbm>>
        tpu.wait_dma2 semaphore(%run_scoped3A_39 : memref<!tpu.dma_semaphore, #tpu.memory_space<semaphore_mem>>) src(%dma_wait3A_47 : memref<624x128xf32, #tpu.memory_space<hbm>>) dst(%dma_wait3A_45 : memref<624x128xf32, #tpu.memory_space<vmem_shared>>)
        tpu.yield
      }) : () -> ()
      %eq3A_34 = arith.constant 15 : i32
      %eq3A_35 = arith.cmpi eq, %arg1, %eq3A_34 : i32
      %convert_element_type3A_36 = arith.extui %eq3A_35 : i1 to i32
      %cond3A_37 = arith.constant 0 : i32
      %cond3A_38 = arith.cmpi ne, %convert_element_type3A_36, %cond3A_37 : i32
      scf.if %cond3A_38 {
        "tpu.region"() ({
          %run_scoped3A_39 = tpu.sem_alloc : memref<!tpu.dma_semaphore, #tpu.memory_space<semaphore_mem>>
          %dma_start3A_40 = arith.constant 9984 : i32
          %dma_start3A_41 = arith.constant 0 : i32
          %dma_start3A_42 = tpu.memref_slice %arg11[%dma_start3A_40, %dma_start3A_41] : memref<10000x128xf32, #tpu.memory_space<vmem_shared>> -> memref<16x128xf32, #tpu.memory_space<vmem_shared>>
          %dma_start3A_43 = arith.constant 9984 : i32
          %dma_start3A_44 = arith.constant 0 : i32
          %dma_start3A_45 = tpu.memref_slice %arg5[%dma_start3A_43, %dma_start3A_44] : memref<10000x128xf32, #tpu.memory_space<hbm>> -> memref<16x128xf32, #tpu.memory_space<hbm>>
          tpu.enqueue_dma source(%dma_start3A_45 : memref<16x128xf32, #tpu.memory_space<hbm>>) target(%dma_start3A_42 : memref<16x128xf32, #tpu.memory_space<vmem_shared>>) target_semaphore(%run_scoped3A_39 : memref<!tpu.dma_semaphore, #tpu.memory_space<semaphore_mem>>)
          %dma_wait3A_46 = arith.constant 9984 : i32
          %dma_wait3A_47 = arith.constant 0 : i32
          %dma_wait3A_48 = tpu.memref_slice %arg11[%dma_wait3A_46, %dma_wait3A_47] : memref<10000x128xf32, #tpu.memory_space<vmem_shared>> -> memref<16x128xf32, #tpu.memory_space<vmem_shared>>
          %dma_wait3A_49 = arith.constant 9984 : i32
          %dma_wait3A_50 = arith.constant 0 : i32
          %dma_wait3A_51 = tpu.memref_slice %arg5[%dma_wait3A_49, %dma_wait3A_50] : memref<10000x128xf32, #tpu.memory_space<hbm>> -> memref<16x128xf32, #tpu.memory_space<hbm>>
          tpu.wait_dma2 semaphore(%run_scoped3A_39 : memref<!tpu.dma_semaphore, #tpu.memory_space<semaphore_mem>>) src(%dma_wait3A_51 : memref<16x128xf32, #tpu.memory_space<hbm>>) dst(%dma_wait3A_48 : memref<16x128xf32, #tpu.memory_space<vmem_shared>>)
          tpu.yield
        }) : () -> ()
      } else {
      }
    } else {
    }
    "tpu.region"() ({
      %run_scoped3A_32 = tpu.sem_alloc : memref<!tpu.dma_semaphore, #tpu.memory_space<semaphore_mem>>
      %dma_start3A_33 = arith.constant 0 : i32
      %dma_start3A_34 = arith.constant 0 : i32
      %dma_start3A_35 = tpu.memref_slice %arg3[%add3A, %dma_start3A_33, %dma_start3A_34] : memref<32x125x80xi32, #tpu.memory_space<hbm>> -> memref<1x125x80xi32, #tpu.memory_space<hbm>>
      %dma_start3A_36 = tpu.memref_squeeze %dma_start3A_35 : memref<1x125x80xi32, #tpu.memory_space<hbm>> -> memref<125x80xi32, #tpu.memory_space<hbm>>
      %dma_start3A_37 = arith.constant 0 : i32
      %dma_start3A_38 = arith.constant 0 : i32
      %dma_start3A_39 = tpu.memref_slice %arg3[%add3A, %dma_start3A_37, %dma_start3A_38] : memref<32x125x80xi32, #tpu.memory_space<hbm>> -> memref<1x125x80xi32, #tpu.memory_space<hbm>>
      %dma_start3A_40 = tpu.memref_squeeze %dma_start3A_39 : memref<1x125x80xi32, #tpu.memory_space<hbm>> -> memref<125x80xi32, #tpu.memory_space<hbm>>
      tpu.enqueue_dma source(%dma_start3A_40 : memref<125x80xi32, #tpu.memory_space<hbm>>) target(%arg7 : memref<125x80xi32, #tpu.memory_space<vmem>>) target_semaphore(%run_scoped3A_32 : memref<!tpu.dma_semaphore, #tpu.memory_space<semaphore_mem>>)
      %dma_wait3A_41 = arith.constant 0 : i32
      %dma_wait3A_42 = arith.constant 0 : i32
      %dma_wait3A_43 = tpu.memref_slice %arg3[%add3A, %dma_wait3A_41, %dma_wait3A_42] : memref<32x125x80xi32, #tpu.memory_space<hbm>> -> memref<1x125x80xi32, #tpu.memory_space<hbm>>
      %dma_wait3A_44 = tpu.memref_squeeze %dma_wait3A_43 : memref<1x125x80xi32, #tpu.memory_space<hbm>> -> memref<125x80xi32, #tpu.memory_space<hbm>>
      %dma_wait3A_45 = arith.constant 0 : i32
      %dma_wait3A_46 = arith.constant 0 : i32
      %dma_wait3A_47 = tpu.memref_slice %arg3[%add3A, %dma_wait3A_45, %dma_wait3A_46] : memref<32x125x80xi32, #tpu.memory_space<hbm>> -> memref<1x125x80xi32, #tpu.memory_space<hbm>>
      %dma_wait3A_48 = tpu.memref_squeeze %dma_wait3A_47 : memref<1x125x80xi32, #tpu.memory_space<hbm>> -> memref<125x80xi32, #tpu.memory_space<hbm>>
      tpu.wait_dma2 semaphore(%run_scoped3A_32 : memref<!tpu.dma_semaphore, #tpu.memory_space<semaphore_mem>>) src(%dma_wait3A_48 : memref<125x80xi32, #tpu.memory_space<hbm>>) dst(%arg7 : memref<125x80xi32, #tpu.memory_space<vmem>>)
      tpu.yield
    }) : () -> ()
    "tpu.region"() ({
      %run_scoped3A_32 = tpu.sem_alloc : memref<!tpu.dma_semaphore, #tpu.memory_space<semaphore_mem>>
      %dma_start3A_33 = arith.constant 0 : i32
      %dma_start3A_34 = arith.constant 0 : i32
      %dma_start3A_35 = tpu.memref_slice %arg4[%add3A, %dma_start3A_33, %dma_start3A_34] : memref<32x125x80xi32, #tpu.memory_space<hbm>> -> memref<1x125x80xi32, #tpu.memory_space<hbm>>
      %dma_start3A_36 = tpu.memref_squeeze %dma_start3A_35 : memref<1x125x80xi32, #tpu.memory_space<hbm>> -> memref<125x80xi32, #tpu.memory_space<hbm>>
      %dma_start3A_37 = arith.constant 0 : i32
      %dma_start3A_38 = arith.constant 0 : i32
      %dma_start3A_39 = tpu.memref_slice %arg4[%add3A, %dma_start3A_37, %dma_start3A_38] : memref<32x125x80xi32, #tpu.memory_space<hbm>> -> memref<1x125x80xi32, #tpu.memory_space<hbm>>
      %dma_start3A_40 = tpu.memref_squeeze %dma_start3A_39 : memref<1x125x80xi32, #tpu.memory_space<hbm>> -> memref<125x80xi32, #tpu.memory_space<hbm>>
      tpu.enqueue_dma source(%dma_start3A_40 : memref<125x80xi32, #tpu.memory_space<hbm>>) target(%arg8 : memref<125x80xi32, #tpu.memory_space<vmem>>) target_semaphore(%run_scoped3A_32 : memref<!tpu.dma_semaphore, #tpu.memory_space<semaphore_mem>>)
      %dma_wait3A_41 = arith.constant 0 : i32
      %dma_wait3A_42 = arith.constant 0 : i32
      %dma_wait3A_43 = tpu.memref_slice %arg4[%add3A, %dma_wait3A_41, %dma_wait3A_42] : memref<32x125x80xi32, #tpu.memory_space<hbm>> -> memref<1x125x80xi32, #tpu.memory_space<hbm>>
      %dma_wait3A_44 = tpu.memref_squeeze %dma_wait3A_43 : memref<1x125x80xi32, #tpu.memory_space<hbm>> -> memref<125x80xi32, #tpu.memory_space<hbm>>
      %dma_wait3A_45 = arith.constant 0 : i32
      %dma_wait3A_46 = arith.constant 0 : i32
      %dma_wait3A_47 = tpu.memref_slice %arg4[%add3A, %dma_wait3A_45, %dma_wait3A_46] : memref<32x125x80xi32, #tpu.memory_space<hbm>> -> memref<1x125x80xi32, #tpu.memory_space<hbm>>
      %dma_wait3A_48 = tpu.memref_squeeze %dma_wait3A_47 : memref<1x125x80xi32, #tpu.memory_space<hbm>> -> memref<125x80xi32, #tpu.memory_space<hbm>>
      tpu.wait_dma2 semaphore(%run_scoped3A_32 : memref<!tpu.dma_semaphore, #tpu.memory_space<semaphore_mem>>) src(%dma_wait3A_48 : memref<125x80xi32, #tpu.memory_space<hbm>>) dst(%arg8 : memref<125x80xi32, #tpu.memory_space<vmem>>)
      tpu.yield
    }) : () -> ()
    %barrier3A = arith.constant 0 : index
    tpu.barrier barrier_id(%barrier3A)
    %dma_start3A = arith.constant 0 : i32
    %dma_start3A_7 = arith.constant 0 : i32
    %dma_start3A_8 = tpu.memref_slice %arg7[%dma_start3A, %dma_start3A_7] : memref<125x80xi32, #tpu.memory_space<vmem>> -> memref<1x80xi32, #tpu.memory_space<vmem>>
    %dma_start3A_9 = tpu.memref_squeeze %dma_start3A_8 : memref<1x80xi32, #tpu.memory_space<vmem>> -> memref<80xi32, #tpu.memory_space<vmem>>
    %dma_start3A_10 = arith.constant 0 : i32
    %dma_start3A_11 = arith.constant 0 : i32
    %dma_start3A_12 = tpu.memref_slice %arg2[%dma_start3A_10, %dma_start3A_11] : memref<10000x128xf32, #tpu.memory_space<hbm>> -> memref<10000x128xf32, #tpu.memory_space<hbm>>
    tpu.enqueue_indirect_dma source(%dma_start3A_12 : memref<10000x128xf32, #tpu.memory_space<hbm>>) target(%arg9 : memref<80x128xf32, #tpu.memory_space<vmem>>) offsets(%dma_start3A_9 : memref<80xi32, #tpu.memory_space<vmem>>) semaphore(%arg12 : memref<!tpu.dma_semaphore, #tpu.memory_space<semaphore_mem>>)
    %scan3A = arith.constant 0 : i32
    %scan3A_13 = arith.constant 0 : i32
    %scan3A_14 = arith.constant 62 : i32
    %scan3A_15 = arith.addi %scan3A_13, %scan3A_14 : i32
    %scan3A_16 = arith.constant 1 : i32
    scf.for %scan3A_32 = %scan3A_13 to %scan3A_15 step %scan3A_16  : i32 {
      %mul3A_33 = arith.constant 2 : i32
      %mul3A_34 = arith.muli %mul3A_33, %scan3A_32 : i32
      %add3A_35 = arith.constant 1 : i32
      %add3A_36 = arith.addi %mul3A_34, %add3A_35 : i32
      %dma_start3A_37 = arith.constant 0 : i32
      %dma_start3A_38 = tpu.memref_slice %arg7[%add3A_36, %dma_start3A_37] : memref<125x80xi32, #tpu.memory_space<vmem>> -> memref<1x80xi32, #tpu.memory_space<vmem>>
      %dma_start3A_39 = tpu.memref_squeeze %dma_start3A_38 : memref<1x80xi32, #tpu.memory_space<vmem>> -> memref<80xi32, #tpu.memory_space<vmem>>
      %dma_start3A_40 = arith.constant 0 : i32
      %dma_start3A_41 = arith.constant 0 : i32
      %dma_start3A_42 = tpu.memref_slice %arg2[%dma_start3A_40, %dma_start3A_41] : memref<10000x128xf32, #tpu.memory_space<hbm>> -> memref<10000x128xf32, #tpu.memory_space<hbm>>
      tpu.enqueue_indirect_dma source(%dma_start3A_42 : memref<10000x128xf32, #tpu.memory_space<hbm>>) target(%arg10 : memref<80x128xf32, #tpu.memory_space<vmem>>) offsets(%dma_start3A_39 : memref<80xi32, #tpu.memory_space<vmem>>) semaphore(%arg13 : memref<!tpu.dma_semaphore, #tpu.memory_space<semaphore_mem>>)
      %dma_wait3A_43 = arith.constant 0 : i32
      %dma_wait3A_44 = tpu.memref_slice %arg7[%mul3A_34, %dma_wait3A_43] : memref<125x80xi32, #tpu.memory_space<vmem>> -> memref<1x80xi32, #tpu.memory_space<vmem>>
      %dma_wait3A_45 = tpu.memref_squeeze %dma_wait3A_44 : memref<1x80xi32, #tpu.memory_space<vmem>> -> memref<80xi32, #tpu.memory_space<vmem>>
      %dma_wait3A_46 = arith.constant 0 : i32
      %dma_wait3A_47 = arith.constant 0 : i32
      %dma_wait3A_48 = tpu.memref_slice %arg2[%dma_wait3A_46, %dma_wait3A_47] : memref<10000x128xf32, #tpu.memory_space<hbm>> -> memref<10000x128xf32, #tpu.memory_space<hbm>>
      tpu.wait_indirect_dma semaphore(%arg12 : memref<!tpu.dma_semaphore, #tpu.memory_space<semaphore_mem>>) src(%dma_wait3A_48 : memref<10000x128xf32, #tpu.memory_space<hbm>>) dst(%arg9 : memref<80x128xf32, #tpu.memory_space<vmem>>)
      "tpu.region"() ({
        %run_scoped3A_67 = tpu.sem_alloc : memref<!tpu.dma_semaphore, #tpu.memory_space<semaphore_mem>>
        %dma_start3A_68 = arith.constant 0 : i32
        %dma_start3A_69 = tpu.memref_slice %arg8[%mul3A_34, %dma_start3A_68] : memref<125x80xi32, #tpu.memory_space<vmem>> -> memref<1x80xi32, #tpu.memory_space<vmem>>
        %dma_start3A_70 = tpu.memref_squeeze %dma_start3A_69 : memref<1x80xi32, #tpu.memory_space<vmem>> -> memref<80xi32, #tpu.memory_space<vmem>>
        %dma_start3A_71 = arith.constant 0 : i32
        %dma_start3A_72 = arith.constant 0 : i32
        %dma_start3A_73 = tpu.memref_slice %arg11[%dma_start3A_71, %dma_start3A_72] : memref<10000x128xf32, #tpu.memory_space<vmem_shared>> -> memref<10000x128xf32, #tpu.memory_space<vmem_shared>>
        tpu.enqueue_indirect_dma source(%arg9 : memref<80x128xf32, #tpu.memory_space<vmem>>) target(%dma_start3A_73 : memref<10000x128xf32, #tpu.memory_space<vmem_shared>>) offsets(%dma_start3A_70 : memref<80xi32, #tpu.memory_space<vmem>>) semaphore(%run_scoped3A_67 : memref<!tpu.dma_semaphore, #tpu.memory_space<semaphore_mem>>) {add = true}
        %dma_wait3A_74 = arith.constant 0 : i32
        %dma_wait3A_75 = tpu.memref_slice %arg8[%mul3A_34, %dma_wait3A_74] : memref<125x80xi32, #tpu.memory_space<vmem>> -> memref<1x80xi32, #tpu.memory_space<vmem>>
        %dma_wait3A_76 = tpu.memref_squeeze %dma_wait3A_75 : memref<1x80xi32, #tpu.memory_space<vmem>> -> memref<80xi32, #tpu.memory_space<vmem>>
        %dma_wait3A_77 = arith.constant 0 : i32
        %dma_wait3A_78 = arith.constant 0 : i32
        %dma_wait3A_79 = tpu.memref_slice %arg11[%dma_wait3A_77, %dma_wait3A_78] : memref<10000x128xf32, #tpu.memory_space<vmem_shared>> -> memref<10000x128xf32, #tpu.memory_space<vmem_shared>>
        tpu.wait_indirect_dma semaphore(%run_scoped3A_67 : memref<!tpu.dma_semaphore, #tpu.memory_space<semaphore_mem>>) src(%arg9 : memref<80x128xf32, #tpu.memory_space<vmem>>) dst(%dma_wait3A_79 : memref<10000x128xf32, #tpu.memory_space<vmem_shared>>)
        tpu.yield
      }) : () -> ()
      %add3A_49 = arith.constant 2 : i32
      %add3A_50 = arith.addi %mul3A_34, %add3A_49 : i32
      %dma_start3A_51 = arith.constant 0 : i32
      %dma_start3A_52 = tpu.memref_slice %arg7[%add3A_50, %dma_start3A_51] : memref<125x80xi32, #tpu.memory_space<vmem>> -> memref<1x80xi32, #tpu.memory_space<vmem>>
      %dma_start3A_53 = tpu.memref_squeeze %dma_start3A_52 : memref<1x80xi32, #tpu.memory_space<vmem>> -> memref<80xi32, #tpu.memory_space<vmem>>
      %dma_start3A_54 = arith.constant 0 : i32
      %dma_start3A_55 = arith.constant 0 : i32
      %dma_start3A_56 = tpu.memref_slice %arg2[%dma_start3A_54, %dma_start3A_55] : memref<10000x128xf32, #tpu.memory_space<hbm>> -> memref<10000x128xf32, #tpu.memory_space<hbm>>
      tpu.enqueue_indirect_dma source(%dma_start3A_56 : memref<10000x128xf32, #tpu.memory_space<hbm>>) target(%arg9 : memref<80x128xf32, #tpu.memory_space<vmem>>) offsets(%dma_start3A_53 : memref<80xi32, #tpu.memory_space<vmem>>) semaphore(%arg12 : memref<!tpu.dma_semaphore, #tpu.memory_space<semaphore_mem>>)
      %add3A_57 = arith.constant 1 : i32
      %add3A_58 = arith.addi %mul3A_34, %add3A_57 : i32
      %dma_wait3A_59 = arith.constant 0 : i32
      %dma_wait3A_60 = tpu.memref_slice %arg7[%add3A_58, %dma_wait3A_59] : memref<125x80xi32, #tpu.memory_space<vmem>> -> memref<1x80xi32, #tpu.memory_space<vmem>>
      %dma_wait3A_61 = tpu.memref_squeeze %dma_wait3A_60 : memref<1x80xi32, #tpu.memory_space<vmem>> -> memref<80xi32, #tpu.memory_space<vmem>>
      %dma_wait3A_62 = arith.constant 0 : i32
      %dma_wait3A_63 = arith.constant 0 : i32
      %dma_wait3A_64 = tpu.memref_slice %arg2[%dma_wait3A_62, %dma_wait3A_63] : memref<10000x128xf32, #tpu.memory_space<hbm>> -> memref<10000x128xf32, #tpu.memory_space<hbm>>
      tpu.wait_indirect_dma semaphore(%arg13 : memref<!tpu.dma_semaphore, #tpu.memory_space<semaphore_mem>>) src(%dma_wait3A_64 : memref<10000x128xf32, #tpu.memory_space<hbm>>) dst(%arg10 : memref<80x128xf32, #tpu.memory_space<vmem>>)
      %add3A_65 = arith.constant 1 : i32
      %add3A_66 = arith.addi %mul3A_34, %add3A_65 : i32
      "tpu.region"() ({
        %run_scoped3A_67 = tpu.sem_alloc : memref<!tpu.dma_semaphore, #tpu.memory_space<semaphore_mem>>
        %dma_start3A_68 = arith.constant 0 : i32
        %dma_start3A_69 = tpu.memref_slice %arg8[%add3A_66, %dma_start3A_68] : memref<125x80xi32, #tpu.memory_space<vmem>> -> memref<1x80xi32, #tpu.memory_space<vmem>>
        %dma_start3A_70 = tpu.memref_squeeze %dma_start3A_69 : memref<1x80xi32, #tpu.memory_space<vmem>> -> memref<80xi32, #tpu.memory_space<vmem>>
        %dma_start3A_71 = arith.constant 0 : i32
        %dma_start3A_72 = arith.constant 0 : i32
        %dma_start3A_73 = tpu.memref_slice %arg11[%dma_start3A_71, %dma_start3A_72] : memref<10000x128xf32, #tpu.memory_space<vmem_shared>> -> memref<10000x128xf32, #tpu.memory_space<vmem_shared>>
        tpu.enqueue_indirect_dma source(%arg10 : memref<80x128xf32, #tpu.memory_space<vmem>>) target(%dma_start3A_73 : memref<10000x128xf32, #tpu.memory_space<vmem_shared>>) offsets(%dma_start3A_70 : memref<80xi32, #tpu.memory_space<vmem>>) semaphore(%run_scoped3A_67 : memref<!tpu.dma_semaphore, #tpu.memory_space<semaphore_mem>>) {add = true}
        %dma_wait3A_74 = arith.constant 0 : i32
        %dma_wait3A_75 = tpu.memref_slice %arg8[%add3A_66, %dma_wait3A_74] : memref<125x80xi32, #tpu.memory_space<vmem>> -> memref<1x80xi32, #tpu.memory_space<vmem>>
        %dma_wait3A_76 = tpu.memref_squeeze %dma_wait3A_75 : memref<1x80xi32, #tpu.memory_space<vmem>> -> memref<80xi32, #tpu.memory_space<vmem>>
        %dma_wait3A_77 = arith.constant 0 : i32
        %dma_wait3A_78 = arith.constant 0 : i32
        %dma_wait3A_79 = tpu.memref_slice %arg11[%dma_wait3A_77, %dma_wait3A_78] : memref<10000x128xf32, #tpu.memory_space<vmem_shared>> -> memref<10000x128xf32, #tpu.memory_space<vmem_shared>>
        tpu.wait_indirect_dma semaphore(%run_scoped3A_67 : memref<!tpu.dma_semaphore, #tpu.memory_space<semaphore_mem>>) src(%arg10 : memref<80x128xf32, #tpu.memory_space<vmem>>) dst(%dma_wait3A_79 : memref<10000x128xf32, #tpu.memory_space<vmem_shared>>)
        tpu.yield
      }) : () -> ()
    }
    %scan3A_17 = arith.constant 62 : i32
    %dma_wait3A = arith.constant 124 : i32
    %dma_wait3A_18 = arith.constant 0 : i32
    %dma_wait3A_19 = tpu.memref_slice %arg7[%dma_wait3A, %dma_wait3A_18] : memref<125x80xi32, #tpu.memory_space<vmem>> -> memref<1x80xi32, #tpu.memory_space<vmem>>
    %dma_wait3A_20 = tpu.memref_squeeze %dma_wait3A_19 : memref<1x80xi32, #tpu.memory_space<vmem>> -> memref<80xi32, #tpu.memory_space<vmem>>
    %dma_wait3A_21 = arith.constant 0 : i32
    %dma_wait3A_22 = arith.constant 0 : i32
    %dma_wait3A_23 = tpu.memref_slice %arg2[%dma_wait3A_21, %dma_wait3A_22] : memref<10000x128xf32, #tpu.memory_space<hbm>> -> memref<10000x128xf32, #tpu.memory_space<hbm>>
    tpu.wait_indirect_dma semaphore(%arg12 : memref<!tpu.dma_semaphore, #tpu.memory_space<semaphore_mem>>) src(%dma_wait3A_23 : memref<10000x128xf32, #tpu.memory_space<hbm>>) dst(%arg9 : memref<80x128xf32, #tpu.memory_space<vmem>>)
    %run_scoped3A = arith.constant 124 : i32
    "tpu.region"() ({
      %run_scoped3A_32 = tpu.sem_alloc : memref<!tpu.dma_semaphore, #tpu.memory_space<semaphore_mem>>
      %dma_start3A_33 = arith.constant 0 : i32
      %dma_start3A_34 = tpu.memref_slice %arg8[%run_scoped3A, %dma_start3A_33] : memref<125x80xi32, #tpu.memory_space<vmem>> -> memref<1x80xi32, #tpu.memory_space<vmem>>
      %dma_start3A_35 = tpu.memref_squeeze %dma_start3A_34 : memref<1x80xi32, #tpu.memory_space<vmem>> -> memref<80xi32, #tpu.memory_space<vmem>>
      %dma_start3A_36 = arith.constant 0 : i32
      %dma_start3A_37 = arith.constant 0 : i32
      %dma_start3A_38 = tpu.memref_slice %arg11[%dma_start3A_36, %dma_start3A_37] : memref<10000x128xf32, #tpu.memory_space<vmem_shared>> -> memref<10000x128xf32, #tpu.memory_space<vmem_shared>>
      tpu.enqueue_indirect_dma source(%arg9 : memref<80x128xf32, #tpu.memory_space<vmem>>) target(%dma_start3A_38 : memref<10000x128xf32, #tpu.memory_space<vmem_shared>>) offsets(%dma_start3A_35 : memref<80xi32, #tpu.memory_space<vmem>>) semaphore(%run_scoped3A_32 : memref<!tpu.dma_semaphore, #tpu.memory_space<semaphore_mem>>) {add = true}
      %dma_wait3A_39 = arith.constant 0 : i32
      %dma_wait3A_40 = tpu.memref_slice %arg8[%run_scoped3A, %dma_wait3A_39] : memref<125x80xi32, #tpu.memory_space<vmem>> -> memref<1x80xi32, #tpu.memory_space<vmem>>
      %dma_wait3A_41 = tpu.memref_squeeze %dma_wait3A_40 : memref<1x80xi32, #tpu.memory_space<vmem>> -> memref<80xi32, #tpu.memory_space<vmem>>
      %dma_wait3A_42 = arith.constant 0 : i32
      %dma_wait3A_43 = arith.constant 0 : i32
      %dma_wait3A_44 = tpu.memref_slice %arg11[%dma_wait3A_42, %dma_wait3A_43] : memref<10000x128xf32, #tpu.memory_space<vmem_shared>> -> memref<10000x128xf32, #tpu.memory_space<vmem_shared>>
      tpu.wait_indirect_dma semaphore(%run_scoped3A_32 : memref<!tpu.dma_semaphore, #tpu.memory_space<semaphore_mem>>) src(%arg9 : memref<80x128xf32, #tpu.memory_space<vmem>>) dst(%dma_wait3A_44 : memref<10000x128xf32, #tpu.memory_space<vmem_shared>>)
      tpu.yield
    }) : () -> ()
    %barrier3A_24 = arith.constant 0 : index
    tpu.barrier barrier_id(%barrier3A_24)
    %mul3A_25 = arith.constant 624 : i32
    %mul3A_26 = arith.muli %arg1, %mul3A_25 : i32
    "tpu.region"() ({
      %run_scoped3A_32 = tpu.sem_alloc : memref<!tpu.dma_semaphore, #tpu.memory_space<semaphore_mem>>
      %dma_start3A_33 = arith.constant 0 : i32
      %dma_start3A_34 = tpu.memref_slice %arg6[%arg0, %mul3A_26, %dma_start3A_33] : memref<2x10000x128xf32, #tpu.memory_space<hbm>> -> memref<1x624x128xf32, #tpu.memory_space<hbm>>
      %dma_start3A_35 = tpu.memref_squeeze %dma_start3A_34 : memref<1x624x128xf32, #tpu.memory_space<hbm>> -> memref<624x128xf32, #tpu.memory_space<hbm>>
      %dma_start3A_36 = arith.constant 0 : i32
      %dma_start3A_37 = tpu.memref_slice %arg11[%mul3A_26, %dma_start3A_36] : memref<10000x128xf32, #tpu.memory_space<vmem_shared>> -> memref<624x128xf32, #tpu.memory_space<vmem_shared>>
      tpu.enqueue_dma source(%dma_start3A_37 : memref<624x128xf32, #tpu.memory_space<vmem_shared>>) target(%dma_start3A_35 : memref<624x128xf32, #tpu.memory_space<hbm>>) target_semaphore(%run_scoped3A_32 : memref<!tpu.dma_semaphore, #tpu.memory_space<semaphore_mem>>)
      %dma_wait3A_38 = arith.constant 0 : i32
      %dma_wait3A_39 = tpu.memref_slice %arg6[%arg0, %mul3A_26, %dma_wait3A_38] : memref<2x10000x128xf32, #tpu.memory_space<hbm>> -> memref<1x624x128xf32, #tpu.memory_space<hbm>>
      %dma_wait3A_40 = tpu.memref_squeeze %dma_wait3A_39 : memref<1x624x128xf32, #tpu.memory_space<hbm>> -> memref<624x128xf32, #tpu.memory_space<hbm>>
      %dma_wait3A_41 = arith.constant 0 : i32
      %dma_wait3A_42 = tpu.memref_slice %arg11[%mul3A_26, %dma_wait3A_41] : memref<10000x128xf32, #tpu.memory_space<vmem_shared>> -> memref<624x128xf32, #tpu.memory_space<vmem_shared>>
      tpu.wait_dma2 semaphore(%run_scoped3A_32 : memref<!tpu.dma_semaphore, #tpu.memory_space<semaphore_mem>>) src(%dma_wait3A_42 : memref<624x128xf32, #tpu.memory_space<vmem_shared>>) dst(%dma_wait3A_40 : memref<624x128xf32, #tpu.memory_space<hbm>>)
      tpu.yield
    }) : () -> ()
    %eq3A_27 = arith.constant 15 : i32
    %eq3A_28 = arith.cmpi eq, %arg1, %eq3A_27 : i32
    %convert_element_type3A_29 = arith.extui %eq3A_28 : i1 to i32
    %cond3A_30 = arith.constant 0 : i32
    %cond3A_31 = arith.cmpi ne, %convert_element_type3A_29, %cond3A_30 : i32
    scf.if %cond3A_31 {
      "tpu.region"() ({
        %run_scoped3A_32 = tpu.sem_alloc : memref<!tpu.dma_semaphore, #tpu.memory_space<semaphore_mem>>
        %dma_start3A_33 = arith.constant 9984 : i32
        %dma_start3A_34 = arith.constant 0 : i32
        %dma_start3A_35 = tpu.memref_slice %arg6[%arg0, %dma_start3A_33, %dma_start3A_34] : memref<2x10000x128xf32, #tpu.memory_space<hbm>> -> memref<1x16x128xf32, #tpu.memory_space<hbm>>
        %dma_start3A_36 = tpu.memref_squeeze %dma_start3A_35 : memref<1x16x128xf32, #tpu.memory_space<hbm>> -> memref<16x128xf32, #tpu.memory_space<hbm>>
        %dma_start3A_37 = arith.constant 9984 : i32
        %dma_start3A_38 = arith.constant 0 : i32
        %dma_start3A_39 = tpu.memref_slice %arg11[%dma_start3A_37, %dma_start3A_38] : memref<10000x128xf32, #tpu.memory_space<vmem_shared>> -> memref<16x128xf32, #tpu.memory_space<vmem_shared>>
        tpu.enqueue_dma source(%dma_start3A_39 : memref<16x128xf32, #tpu.memory_space<vmem_shared>>) target(%dma_start3A_36 : memref<16x128xf32, #tpu.memory_space<hbm>>) target_semaphore(%run_scoped3A_32 : memref<!tpu.dma_semaphore, #tpu.memory_space<semaphore_mem>>)
        %dma_wait3A_40 = arith.constant 9984 : i32
        %dma_wait3A_41 = arith.constant 0 : i32
        %dma_wait3A_42 = tpu.memref_slice %arg6[%arg0, %dma_wait3A_40, %dma_wait3A_41] : memref<2x10000x128xf32, #tpu.memory_space<hbm>> -> memref<1x16x128xf32, #tpu.memory_space<hbm>>
        %dma_wait3A_43 = tpu.memref_squeeze %dma_wait3A_42 : memref<1x16x128xf32, #tpu.memory_space<hbm>> -> memref<16x128xf32, #tpu.memory_space<hbm>>
        %dma_wait3A_44 = arith.constant 9984 : i32
        %dma_wait3A_45 = arith.constant 0 : i32
        %dma_wait3A_46 = tpu.memref_slice %arg11[%dma_wait3A_44, %dma_wait3A_45] : memref<10000x128xf32, #tpu.memory_space<vmem_shared>> -> memref<16x128xf32, #tpu.memory_space<vmem_shared>>
        tpu.wait_dma2 semaphore(%run_scoped3A_32 : memref<!tpu.dma_semaphore, #tpu.memory_space<semaphore_mem>>) src(%dma_wait3A_46 : memref<16x128xf32, #tpu.memory_space<vmem_shared>>) dst(%dma_wait3A_43 : memref<16x128xf32, #tpu.memory_space<hbm>>)
        tpu.yield
      }) : () -> ()
    } else {
    }
    return
  }
}

#map = affine_map<(d0, d1) -> (0, 0)>
#map1 = affine_map<(d0, d1) -> (0, 0, 0)>
module attributes {stable_mosaic.version = 14 : i64} {
  func.func @agg_kernel(%arg0: i32, %arg1: i32, %arg2: memref<10000x128xf32, #tpu.memory_space<hbm>>, %arg3: memref<32x125x80xi32, #tpu.memory_space<hbm>>, %arg4: memref<32x125x80xi32, #tpu.memory_space<hbm>>, %arg5: memref<10000x128xf32, #tpu.memory_space<hbm>>, %arg6: memref<2x10000x128xf32, #tpu.memory_space<hbm>>, %arg7: memref<125x80xi32, #tpu.memory_space<vmem>>, %arg8: memref<125x80xi32, #tpu.memory_space<vmem>>, %arg9: memref<80x128xf32, #tpu.memory_space<vmem>>, %arg10: memref<80x128xf32, #tpu.memory_space<vmem>>, %arg11: memref<10000x128xf32, #tpu.memory_space<vmem_shared>>, %arg12: memref<!tpu.dma_semaphore, #tpu.memory_space<semaphore_mem>>, %arg13: memref<!tpu.dma_semaphore, #tpu.memory_space<semaphore_mem>>) attributes {dimension_semantics = [#tpu.dimension_semantics<core_parallel>, #tpu.dimension_semantics<subcore_parallel>], iteration_bounds = array<i64: 2, 16>, scalar_prefetch = 0 : i64, scratch_operands = 7 : i64, tpu.core_type = #tpu.core_type<sc_vector_subcore>, window_params = [{transform_indices = #map}, {transform_indices = #map1}, {transform_indices = #map1}, {transform_indices = #map}, {transform_indices = #map1}]} {
    %mul3A = arith.constant 16 : i32
    %mul3A_0 = arith.muli %arg0, %mul3A : i32
    %add3A = arith.addi %mul3A_0, %arg1 : i32
    %eq3A = arith.constant 0 : i32
    %eq3A_1 = arith.cmpi eq, %arg0, %eq3A : i32
    %convert_element_type3A = arith.extui %eq3A_1 : i1 to i32
    %cond3A = arith.constant 0 : i32
    %cond3A_2 = arith.cmpi ne, %convert_element_type3A, %cond3A : i32
    scf.if %cond3A_2 {
      %mul3A_32 = arith.constant 624 : i32
      %mul3A_33 = arith.muli %arg1, %mul3A_32 : i32
      "tpu.region"() ({
        %run_scoped3A_39 = tpu.sem_alloc : memref<!tpu.dma_semaphore, #tpu.memory_space<semaphore_mem>>
        %dma_start3A_40 = arith.constant 0 : i32
        %dma_start3A_41 = tpu.memref_slice %arg11[%mul3A_33, %dma_start3A_40] : memref<10000x128xf32, #tpu.memory_space<vmem_shared>> -> memref<624x128xf32, #tpu.memory_space<vmem_shared>>
        %dma_start3A_42 = arith.constant 0 : i32
        %dma_start3A_43 = tpu.memref_slice %arg2[%mul3A_33, %dma_start3A_42] : memref<10000x128xf32, #tpu.memory_space<hbm>> -> memref<624x128xf32, #tpu.memory_space<hbm>>
        tpu.enqueue_dma source(%dma_start3A_43 : memref<624x128xf32, #tpu.memory_space<hbm>>) target(%dma_start3A_41 : memref<624x128xf32, #tpu.memory_space<vmem_shared>>) target_semaphore(%run_scoped3A_39 : memref<!tpu.dma_semaphore, #tpu.memory_space<semaphore_mem>>)
        %dma_wait3A_44 = arith.constant 0 : i32
        %dma_wait3A_45 = tpu.memref_slice %arg11[%mul3A_33, %dma_wait3A_44] : memref<10000x128xf32, #tpu.memory_space<vmem_shared>> -> memref<624x128xf32, #tpu.memory_space<vmem_shared>>
        %dma_wait3A_46 = arith.constant 0 : i32
        %dma_wait3A_47 = tpu.memref_slice %arg2[%mul3A_33, %dma_wait3A_46] : memref<10000x128xf32, #tpu.memory_space<hbm>> -> memref<624x128xf32, #tpu.memory_space<hbm>>
        tpu.wait_dma2 semaphore(%run_scoped3A_39 : memref<!tpu.dma_semaphore, #tpu.memory_space<semaphore_mem>>) src(%dma_wait3A_47 : memref<624x128xf32, #tpu.memory_space<hbm>>) dst(%dma_wait3A_45 : memref<624x128xf32, #tpu.memory_space<vmem_shared>>)
        tpu.yield
      }) : () -> ()
      %eq3A_34 = arith.constant 15 : i32
      %eq3A_35 = arith.cmpi eq, %arg1, %eq3A_34 : i32
      %convert_element_type3A_36 = arith.extui %eq3A_35 : i1 to i32
      %cond3A_37 = arith.constant 0 : i32
      %cond3A_38 = arith.cmpi ne, %convert_element_type3A_36, %cond3A_37 : i32
      scf.if %cond3A_38 {
        "tpu.region"() ({
          %run_scoped3A_39 = tpu.sem_alloc : memref<!tpu.dma_semaphore, #tpu.memory_space<semaphore_mem>>
          %dma_start3A_40 = arith.constant 9984 : i32
          %dma_start3A_41 = arith.constant 0 : i32
          %dma_start3A_42 = tpu.memref_slice %arg11[%dma_start3A_40, %dma_start3A_41] : memref<10000x128xf32, #tpu.memory_space<vmem_shared>> -> memref<16x128xf32, #tpu.memory_space<vmem_shared>>
          %dma_start3A_43 = arith.constant 9984 : i32
          %dma_start3A_44 = arith.constant 0 : i32
          %dma_start3A_45 = tpu.memref_slice %arg2[%dma_start3A_43, %dma_start3A_44] : memref<10000x128xf32, #tpu.memory_space<hbm>> -> memref<16x128xf32, #tpu.memory_space<hbm>>
          tpu.enqueue_dma source(%dma_start3A_45 : memref<16x128xf32, #tpu.memory_space<hbm>>) target(%dma_start3A_42 : memref<16x128xf32, #tpu.memory_space<vmem_shared>>) target_semaphore(%run_scoped3A_39 : memref<!tpu.dma_semaphore, #tpu.memory_space<semaphore_mem>>)
          %dma_wait3A_46 = arith.constant 9984 : i32
          %dma_wait3A_47 = arith.constant 0 : i32
          %dma_wait3A_48 = tpu.memref_slice %arg11[%dma_wait3A_46, %dma_wait3A_47] : memref<10000x128xf32, #tpu.memory_space<vmem_shared>> -> memref<16x128xf32, #tpu.memory_space<vmem_shared>>
          %dma_wait3A_49 = arith.constant 9984 : i32
          %dma_wait3A_50 = arith.constant 0 : i32
          %dma_wait3A_51 = tpu.memref_slice %arg2[%dma_wait3A_49, %dma_wait3A_50] : memref<10000x128xf32, #tpu.memory_space<hbm>> -> memref<16x128xf32, #tpu.memory_space<hbm>>
          tpu.wait_dma2 semaphore(%run_scoped3A_39 : memref<!tpu.dma_semaphore, #tpu.memory_space<semaphore_mem>>) src(%dma_wait3A_51 : memref<16x128xf32, #tpu.memory_space<hbm>>) dst(%dma_wait3A_48 : memref<16x128xf32, #tpu.memory_space<vmem_shared>>)
          tpu.yield
        }) : () -> ()
      } else {
      }
    } else {
    }
    %ne3A = arith.constant 0 : i32
    %ne3A_3 = arith.cmpi ne, %arg0, %ne3A : i32
    %convert_element_type3A_4 = arith.extui %ne3A_3 : i1 to i32
    %cond3A_5 = arith.constant 0 : i32
    %cond3A_6 = arith.cmpi ne, %convert_element_type3A_4, %cond3A_5 : i32
    scf.if %cond3A_6 {
      %mul3A_32 = arith.constant 624 : i32
      %mul3A_33 = arith.muli %arg1, %mul3A_32 : i32
      "tpu.region"() ({
        %run_scoped3A_39 = tpu.sem_alloc : memref<!tpu.dma_semaphore, #tpu.memory_space<semaphore_mem>>
        %dma_start3A_40 = arith.constant 0 : i32
        %dma_start3A_41 = tpu.memref_slice %arg11[%mul3A_33, %dma_start3A_40] : memref<10000x128xf32, #tpu.memory_space<vmem_shared>> -> memref<624x128xf32, #tpu.memory_space<vmem_shared>>
        %dma_start3A_42 = arith.constant 0 : i32
        %dma_start3A_43 = tpu.memref_slice %arg5[%mul3A_33, %dma_start3A_42] : memref<10000x128xf32, #tpu.memory_space<hbm>> -> memref<624x128xf32, #tpu.memory_space<hbm>>
        tpu.enqueue_dma source(%dma_start3A_43 : memref<624x128xf32, #tpu.memory_space<hbm>>) target(%dma_start3A_41 : memref<624x128xf32, #tpu.memory_space<vmem_shared>>) target_semaphore(%run_scoped3A_39 : memref<!tpu.dma_semaphore, #tpu.memory_space<semaphore_mem>>)
        %dma_wait3A_44 = arith.constant 0 : i32
        %dma_wait3A_45 = tpu.memref_slice %arg11[%mul3A_33, %dma_wait3A_44] : memref<10000x128xf32, #tpu.memory_space<vmem_shared>> -> memref<624x128xf32, #tpu.memory_space<vmem_shared>>
        %dma_wait3A_46 = arith.constant 0 : i32
        %dma_wait3A_47 = tpu.memref_slice %arg5[%mul3A_33, %dma_wait3A_46] : memref<10000x128xf32, #tpu.memory_space<hbm>> -> memref<624x128xf32, #tpu.memory_space<hbm>>
        tpu.wait_dma2 semaphore(%run_scoped3A_39 : memref<!tpu.dma_semaphore, #tpu.memory_space<semaphore_mem>>) src(%dma_wait3A_47 : memref<624x128xf32, #tpu.memory_space<hbm>>) dst(%dma_wait3A_45 : memref<624x128xf32, #tpu.memory_space<vmem_shared>>)
        tpu.yield
      }) : () -> ()
      %eq3A_34 = arith.constant 15 : i32
      %eq3A_35 = arith.cmpi eq, %arg1, %eq3A_34 : i32
      %convert_element_type3A_36 = arith.extui %eq3A_35 : i1 to i32
      %cond3A_37 = arith.constant 0 : i32
      %cond3A_38 = arith.cmpi ne, %convert_element_type3A_36, %cond3A_37 : i32
      scf.if %cond3A_38 {
        "tpu.region"() ({
          %run_scoped3A_39 = tpu.sem_alloc : memref<!tpu.dma_semaphore, #tpu.memory_space<semaphore_mem>>
          %dma_start3A_40 = arith.constant 9984 : i32
          %dma_start3A_41 = arith.constant 0 : i32
          %dma_start3A_42 = tpu.memref_slice %arg11[%dma_start3A_40, %dma_start3A_41] : memref<10000x128xf32, #tpu.memory_space<vmem_shared>> -> memref<16x128xf32, #tpu.memory_space<vmem_shared>>
          %dma_start3A_43 = arith.constant 9984 : i32
          %dma_start3A_44 = arith.constant 0 : i32
          %dma_start3A_45 = tpu.memref_slice %arg5[%dma_start3A_43, %dma_start3A_44] : memref<10000x128xf32, #tpu.memory_space<hbm>> -> memref<16x128xf32, #tpu.memory_space<hbm>>
          tpu.enqueue_dma source(%dma_start3A_45 : memref<16x128xf32, #tpu.memory_space<hbm>>) target(%dma_start3A_42 : memref<16x128xf32, #tpu.memory_space<vmem_shared>>) target_semaphore(%run_scoped3A_39 : memref<!tpu.dma_semaphore, #tpu.memory_space<semaphore_mem>>)
          %dma_wait3A_46 = arith.constant 9984 : i32
          %dma_wait3A_47 = arith.constant 0 : i32
          %dma_wait3A_48 = tpu.memref_slice %arg11[%dma_wait3A_46, %dma_wait3A_47] : memref<10000x128xf32, #tpu.memory_space<vmem_shared>> -> memref<16x128xf32, #tpu.memory_space<vmem_shared>>
          %dma_wait3A_49 = arith.constant 9984 : i32
          %dma_wait3A_50 = arith.constant 0 : i32
          %dma_wait3A_51 = tpu.memref_slice %arg5[%dma_wait3A_49, %dma_wait3A_50] : memref<10000x128xf32, #tpu.memory_space<hbm>> -> memref<16x128xf32, #tpu.memory_space<hbm>>
          tpu.wait_dma2 semaphore(%run_scoped3A_39 : memref<!tpu.dma_semaphore, #tpu.memory_space<semaphore_mem>>) src(%dma_wait3A_51 : memref<16x128xf32, #tpu.memory_space<hbm>>) dst(%dma_wait3A_48 : memref<16x128xf32, #tpu.memory_space<vmem_shared>>)
          tpu.yield
        }) : () -> ()
      } else {
      }
    } else {
    }
    "tpu.region"() ({
      %run_scoped3A_32 = tpu.sem_alloc : memref<!tpu.dma_semaphore, #tpu.memory_space<semaphore_mem>>
      %dma_start3A_33 = arith.constant 0 : i32
      %dma_start3A_34 = arith.constant 0 : i32
      %dma_start3A_35 = tpu.memref_slice %arg3[%add3A, %dma_start3A_33, %dma_start3A_34] : memref<32x125x80xi32, #tpu.memory_space<hbm>> -> memref<1x125x80xi32, #tpu.memory_space<hbm>>
      %dma_start3A_36 = tpu.memref_squeeze %dma_start3A_35 : memref<1x125x80xi32, #tpu.memory_space<hbm>> -> memref<125x80xi32, #tpu.memory_space<hbm>>
      %dma_start3A_37 = arith.constant 0 : i32
      %dma_start3A_38 = arith.constant 0 : i32
      %dma_start3A_39 = tpu.memref_slice %arg3[%add3A, %dma_start3A_37, %dma_start3A_38] : memref<32x125x80xi32, #tpu.memory_space<hbm>> -> memref<1x125x80xi32, #tpu.memory_space<hbm>>
      %dma_start3A_40 = tpu.memref_squeeze %dma_start3A_39 : memref<1x125x80xi32, #tpu.memory_space<hbm>> -> memref<125x80xi32, #tpu.memory_space<hbm>>
      tpu.enqueue_dma source(%dma_start3A_40 : memref<125x80xi32, #tpu.memory_space<hbm>>) target(%arg7 : memref<125x80xi32, #tpu.memory_space<vmem>>) target_semaphore(%run_scoped3A_32 : memref<!tpu.dma_semaphore, #tpu.memory_space<semaphore_mem>>)
      %dma_wait3A_41 = arith.constant 0 : i32
      %dma_wait3A_42 = arith.constant 0 : i32
      %dma_wait3A_43 = tpu.memref_slice %arg3[%add3A, %dma_wait3A_41, %dma_wait3A_42] : memref<32x125x80xi32, #tpu.memory_space<hbm>> -> memref<1x125x80xi32, #tpu.memory_space<hbm>>
      %dma_wait3A_44 = tpu.memref_squeeze %dma_wait3A_43 : memref<1x125x80xi32, #tpu.memory_space<hbm>> -> memref<125x80xi32, #tpu.memory_space<hbm>>
      %dma_wait3A_45 = arith.constant 0 : i32
      %dma_wait3A_46 = arith.constant 0 : i32
      %dma_wait3A_47 = tpu.memref_slice %arg3[%add3A, %dma_wait3A_45, %dma_wait3A_46] : memref<32x125x80xi32, #tpu.memory_space<hbm>> -> memref<1x125x80xi32, #tpu.memory_space<hbm>>
      %dma_wait3A_48 = tpu.memref_squeeze %dma_wait3A_47 : memref<1x125x80xi32, #tpu.memory_space<hbm>> -> memref<125x80xi32, #tpu.memory_space<hbm>>
      tpu.wait_dma2 semaphore(%run_scoped3A_32 : memref<!tpu.dma_semaphore, #tpu.memory_space<semaphore_mem>>) src(%dma_wait3A_48 : memref<125x80xi32, #tpu.memory_space<hbm>>) dst(%arg7 : memref<125x80xi32, #tpu.memory_space<vmem>>)
      tpu.yield
    }) : () -> ()
    "tpu.region"() ({
      %run_scoped3A_32 = tpu.sem_alloc : memref<!tpu.dma_semaphore, #tpu.memory_space<semaphore_mem>>
      %dma_start3A_33 = arith.constant 0 : i32
      %dma_start3A_34 = arith.constant 0 : i32
      %dma_start3A_35 = tpu.memref_slice %arg4[%add3A, %dma_start3A_33, %dma_start3A_34] : memref<32x125x80xi32, #tpu.memory_space<hbm>> -> memref<1x125x80xi32, #tpu.memory_space<hbm>>
      %dma_start3A_36 = tpu.memref_squeeze %dma_start3A_35 : memref<1x125x80xi32, #tpu.memory_space<hbm>> -> memref<125x80xi32, #tpu.memory_space<hbm>>
      %dma_start3A_37 = arith.constant 0 : i32
      %dma_start3A_38 = arith.constant 0 : i32
      %dma_start3A_39 = tpu.memref_slice %arg4[%add3A, %dma_start3A_37, %dma_start3A_38] : memref<32x125x80xi32, #tpu.memory_space<hbm>> -> memref<1x125x80xi32, #tpu.memory_space<hbm>>
      %dma_start3A_40 = tpu.memref_squeeze %dma_start3A_39 : memref<1x125x80xi32, #tpu.memory_space<hbm>> -> memref<125x80xi32, #tpu.memory_space<hbm>>
      tpu.enqueue_dma source(%dma_start3A_40 : memref<125x80xi32, #tpu.memory_space<hbm>>) target(%arg8 : memref<125x80xi32, #tpu.memory_space<vmem>>) target_semaphore(%run_scoped3A_32 : memref<!tpu.dma_semaphore, #tpu.memory_space<semaphore_mem>>)
      %dma_wait3A_41 = arith.constant 0 : i32
      %dma_wait3A_42 = arith.constant 0 : i32
      %dma_wait3A_43 = tpu.memref_slice %arg4[%add3A, %dma_wait3A_41, %dma_wait3A_42] : memref<32x125x80xi32, #tpu.memory_space<hbm>> -> memref<1x125x80xi32, #tpu.memory_space<hbm>>
      %dma_wait3A_44 = tpu.memref_squeeze %dma_wait3A_43 : memref<1x125x80xi32, #tpu.memory_space<hbm>> -> memref<125x80xi32, #tpu.memory_space<hbm>>
      %dma_wait3A_45 = arith.constant 0 : i32
      %dma_wait3A_46 = arith.constant 0 : i32
      %dma_wait3A_47 = tpu.memref_slice %arg4[%add3A, %dma_wait3A_45, %dma_wait3A_46] : memref<32x125x80xi32, #tpu.memory_space<hbm>> -> memref<1x125x80xi32, #tpu.memory_space<hbm>>
      %dma_wait3A_48 = tpu.memref_squeeze %dma_wait3A_47 : memref<1x125x80xi32, #tpu.memory_space<hbm>> -> memref<125x80xi32, #tpu.memory_space<hbm>>
      tpu.wait_dma2 semaphore(%run_scoped3A_32 : memref<!tpu.dma_semaphore, #tpu.memory_space<semaphore_mem>>) src(%dma_wait3A_48 : memref<125x80xi32, #tpu.memory_space<hbm>>) dst(%arg8 : memref<125x80xi32, #tpu.memory_space<vmem>>)
      tpu.yield
    }) : () -> ()
    %barrier3A = arith.constant 0 : index
    tpu.barrier barrier_id(%barrier3A)
    %dma_start3A = arith.constant 0 : i32
    %dma_start3A_7 = arith.constant 0 : i32
    %dma_start3A_8 = tpu.memref_slice %arg7[%dma_start3A, %dma_start3A_7] : memref<125x80xi32, #tpu.memory_space<vmem>> -> memref<1x80xi32, #tpu.memory_space<vmem>>
    %dma_start3A_9 = tpu.memref_squeeze %dma_start3A_8 : memref<1x80xi32, #tpu.memory_space<vmem>> -> memref<80xi32, #tpu.memory_space<vmem>>
    %dma_start3A_10 = arith.constant 0 : i32
    %dma_start3A_11 = arith.constant 0 : i32
    %dma_start3A_12 = tpu.memref_slice %arg2[%dma_start3A_10, %dma_start3A_11] : memref<10000x128xf32, #tpu.memory_space<hbm>> -> memref<10000x128xf32, #tpu.memory_space<hbm>>
    tpu.enqueue_indirect_dma source(%dma_start3A_12 : memref<10000x128xf32, #tpu.memory_space<hbm>>) target(%arg9 : memref<80x128xf32, #tpu.memory_space<vmem>>) offsets(%dma_start3A_9 : memref<80xi32, #tpu.memory_space<vmem>>) semaphore(%arg12 : memref<!tpu.dma_semaphore, #tpu.memory_space<semaphore_mem>>)
    %scan3A = arith.constant 0 : i32
    %scan3A_13 = arith.constant 0 : i32
    %scan3A_14 = arith.constant 62 : i32
    %scan3A_15 = arith.addi %scan3A_13, %scan3A_14 : i32
    %scan3A_16 = arith.constant 1 : i32
    scf.for %scan3A_32 = %scan3A_13 to %scan3A_15 step %scan3A_16  : i32 {
      %mul3A_33 = arith.constant 2 : i32
      %mul3A_34 = arith.muli %mul3A_33, %scan3A_32 : i32
      %add3A_35 = arith.constant 1 : i32
      %add3A_36 = arith.addi %mul3A_34, %add3A_35 : i32
      %dma_start3A_37 = arith.constant 0 : i32
      %dma_start3A_38 = tpu.memref_slice %arg7[%add3A_36, %dma_start3A_37] : memref<125x80xi32, #tpu.memory_space<vmem>> -> memref<1x80xi32, #tpu.memory_space<vmem>>
      %dma_start3A_39 = tpu.memref_squeeze %dma_start3A_38 : memref<1x80xi32, #tpu.memory_space<vmem>> -> memref<80xi32, #tpu.memory_space<vmem>>
      %dma_start3A_40 = arith.constant 0 : i32
      %dma_start3A_41 = arith.constant 0 : i32
      %dma_start3A_42 = tpu.memref_slice %arg2[%dma_start3A_40, %dma_start3A_41] : memref<10000x128xf32, #tpu.memory_space<hbm>> -> memref<10000x128xf32, #tpu.memory_space<hbm>>
      tpu.enqueue_indirect_dma source(%dma_start3A_42 : memref<10000x128xf32, #tpu.memory_space<hbm>>) target(%arg10 : memref<80x128xf32, #tpu.memory_space<vmem>>) offsets(%dma_start3A_39 : memref<80xi32, #tpu.memory_space<vmem>>) semaphore(%arg13 : memref<!tpu.dma_semaphore, #tpu.memory_space<semaphore_mem>>)
      %dma_wait3A_43 = arith.constant 0 : i32
      %dma_wait3A_44 = tpu.memref_slice %arg7[%mul3A_34, %dma_wait3A_43] : memref<125x80xi32, #tpu.memory_space<vmem>> -> memref<1x80xi32, #tpu.memory_space<vmem>>
      %dma_wait3A_45 = tpu.memref_squeeze %dma_wait3A_44 : memref<1x80xi32, #tpu.memory_space<vmem>> -> memref<80xi32, #tpu.memory_space<vmem>>
      %dma_wait3A_46 = arith.constant 0 : i32
      %dma_wait3A_47 = arith.constant 0 : i32
      %dma_wait3A_48 = tpu.memref_slice %arg2[%dma_wait3A_46, %dma_wait3A_47] : memref<10000x128xf32, #tpu.memory_space<hbm>> -> memref<10000x128xf32, #tpu.memory_space<hbm>>
      tpu.wait_indirect_dma semaphore(%arg12 : memref<!tpu.dma_semaphore, #tpu.memory_space<semaphore_mem>>) src(%dma_wait3A_48 : memref<10000x128xf32, #tpu.memory_space<hbm>>) dst(%arg9 : memref<80x128xf32, #tpu.memory_space<vmem>>)
      "tpu.region"() ({
        %run_scoped3A_67 = tpu.sem_alloc : memref<!tpu.dma_semaphore, #tpu.memory_space<semaphore_mem>>
        %dma_start3A_68 = arith.constant 0 : i32
        %dma_start3A_69 = tpu.memref_slice %arg8[%mul3A_34, %dma_start3A_68] : memref<125x80xi32, #tpu.memory_space<vmem>> -> memref<1x80xi32, #tpu.memory_space<vmem>>
        %dma_start3A_70 = tpu.memref_squeeze %dma_start3A_69 : memref<1x80xi32, #tpu.memory_space<vmem>> -> memref<80xi32, #tpu.memory_space<vmem>>
        %dma_start3A_71 = arith.constant 0 : i32
        %dma_start3A_72 = arith.constant 0 : i32
        %dma_start3A_73 = tpu.memref_slice %arg11[%dma_start3A_71, %dma_start3A_72] : memref<10000x128xf32, #tpu.memory_space<vmem_shared>> -> memref<10000x128xf32, #tpu.memory_space<vmem_shared>>
        tpu.enqueue_indirect_dma source(%arg9 : memref<80x128xf32, #tpu.memory_space<vmem>>) target(%dma_start3A_73 : memref<10000x128xf32, #tpu.memory_space<vmem_shared>>) offsets(%dma_start3A_70 : memref<80xi32, #tpu.memory_space<vmem>>) semaphore(%run_scoped3A_67 : memref<!tpu.dma_semaphore, #tpu.memory_space<semaphore_mem>>) {add = true}
        %dma_wait3A_74 = arith.constant 0 : i32
        %dma_wait3A_75 = tpu.memref_slice %arg8[%mul3A_34, %dma_wait3A_74] : memref<125x80xi32, #tpu.memory_space<vmem>> -> memref<1x80xi32, #tpu.memory_space<vmem>>
        %dma_wait3A_76 = tpu.memref_squeeze %dma_wait3A_75 : memref<1x80xi32, #tpu.memory_space<vmem>> -> memref<80xi32, #tpu.memory_space<vmem>>
        %dma_wait3A_77 = arith.constant 0 : i32
        %dma_wait3A_78 = arith.constant 0 : i32
        %dma_wait3A_79 = tpu.memref_slice %arg11[%dma_wait3A_77, %dma_wait3A_78] : memref<10000x128xf32, #tpu.memory_space<vmem_shared>> -> memref<10000x128xf32, #tpu.memory_space<vmem_shared>>
        tpu.wait_indirect_dma semaphore(%run_scoped3A_67 : memref<!tpu.dma_semaphore, #tpu.memory_space<semaphore_mem>>) src(%arg9 : memref<80x128xf32, #tpu.memory_space<vmem>>) dst(%dma_wait3A_79 : memref<10000x128xf32, #tpu.memory_space<vmem_shared>>)
        tpu.yield
      }) : () -> ()
      %add3A_49 = arith.constant 2 : i32
      %add3A_50 = arith.addi %mul3A_34, %add3A_49 : i32
      %dma_start3A_51 = arith.constant 0 : i32
      %dma_start3A_52 = tpu.memref_slice %arg7[%add3A_50, %dma_start3A_51] : memref<125x80xi32, #tpu.memory_space<vmem>> -> memref<1x80xi32, #tpu.memory_space<vmem>>
      %dma_start3A_53 = tpu.memref_squeeze %dma_start3A_52 : memref<1x80xi32, #tpu.memory_space<vmem>> -> memref<80xi32, #tpu.memory_space<vmem>>
      %dma_start3A_54 = arith.constant 0 : i32
      %dma_start3A_55 = arith.constant 0 : i32
      %dma_start3A_56 = tpu.memref_slice %arg2[%dma_start3A_54, %dma_start3A_55] : memref<10000x128xf32, #tpu.memory_space<hbm>> -> memref<10000x128xf32, #tpu.memory_space<hbm>>
      tpu.enqueue_indirect_dma source(%dma_start3A_56 : memref<10000x128xf32, #tpu.memory_space<hbm>>) target(%arg9 : memref<80x128xf32, #tpu.memory_space<vmem>>) offsets(%dma_start3A_53 : memref<80xi32, #tpu.memory_space<vmem>>) semaphore(%arg12 : memref<!tpu.dma_semaphore, #tpu.memory_space<semaphore_mem>>)
      %add3A_57 = arith.constant 1 : i32
      %add3A_58 = arith.addi %mul3A_34, %add3A_57 : i32
      %dma_wait3A_59 = arith.constant 0 : i32
      %dma_wait3A_60 = tpu.memref_slice %arg7[%add3A_58, %dma_wait3A_59] : memref<125x80xi32, #tpu.memory_space<vmem>> -> memref<1x80xi32, #tpu.memory_space<vmem>>
      %dma_wait3A_61 = tpu.memref_squeeze %dma_wait3A_60 : memref<1x80xi32, #tpu.memory_space<vmem>> -> memref<80xi32, #tpu.memory_space<vmem>>
      %dma_wait3A_62 = arith.constant 0 : i32
      %dma_wait3A_63 = arith.constant 0 : i32
      %dma_wait3A_64 = tpu.memref_slice %arg2[%dma_wait3A_62, %dma_wait3A_63] : memref<10000x128xf32, #tpu.memory_space<hbm>> -> memref<10000x128xf32, #tpu.memory_space<hbm>>
      tpu.wait_indirect_dma semaphore(%arg13 : memref<!tpu.dma_semaphore, #tpu.memory_space<semaphore_mem>>) src(%dma_wait3A_64 : memref<10000x128xf32, #tpu.memory_space<hbm>>) dst(%arg10 : memref<80x128xf32, #tpu.memory_space<vmem>>)
      %add3A_65 = arith.constant 1 : i32
      %add3A_66 = arith.addi %mul3A_34, %add3A_65 : i32
      "tpu.region"() ({
        %run_scoped3A_67 = tpu.sem_alloc : memref<!tpu.dma_semaphore, #tpu.memory_space<semaphore_mem>>
        %dma_start3A_68 = arith.constant 0 : i32
        %dma_start3A_69 = tpu.memref_slice %arg8[%add3A_66, %dma_start3A_68] : memref<125x80xi32, #tpu.memory_space<vmem>> -> memref<1x80xi32, #tpu.memory_space<vmem>>
        %dma_start3A_70 = tpu.memref_squeeze %dma_start3A_69 : memref<1x80xi32, #tpu.memory_space<vmem>> -> memref<80xi32, #tpu.memory_space<vmem>>
        %dma_start3A_71 = arith.constant 0 : i32
        %dma_start3A_72 = arith.constant 0 : i32
        %dma_start3A_73 = tpu.memref_slice %arg11[%dma_start3A_71, %dma_start3A_72] : memref<10000x128xf32, #tpu.memory_space<vmem_shared>> -> memref<10000x128xf32, #tpu.memory_space<vmem_shared>>
        tpu.enqueue_indirect_dma source(%arg10 : memref<80x128xf32, #tpu.memory_space<vmem>>) target(%dma_start3A_73 : memref<10000x128xf32, #tpu.memory_space<vmem_shared>>) offsets(%dma_start3A_70 : memref<80xi32, #tpu.memory_space<vmem>>) semaphore(%run_scoped3A_67 : memref<!tpu.dma_semaphore, #tpu.memory_space<semaphore_mem>>) {add = true}
        %dma_wait3A_74 = arith.constant 0 : i32
        %dma_wait3A_75 = tpu.memref_slice %arg8[%add3A_66, %dma_wait3A_74] : memref<125x80xi32, #tpu.memory_space<vmem>> -> memref<1x80xi32, #tpu.memory_space<vmem>>
        %dma_wait3A_76 = tpu.memref_squeeze %dma_wait3A_75 : memref<1x80xi32, #tpu.memory_space<vmem>> -> memref<80xi32, #tpu.memory_space<vmem>>
        %dma_wait3A_77 = arith.constant 0 : i32
        %dma_wait3A_78 = arith.constant 0 : i32
        %dma_wait3A_79 = tpu.memref_slice %arg11[%dma_wait3A_77, %dma_wait3A_78] : memref<10000x128xf32, #tpu.memory_space<vmem_shared>> -> memref<10000x128xf32, #tpu.memory_space<vmem_shared>>
        tpu.wait_indirect_dma semaphore(%run_scoped3A_67 : memref<!tpu.dma_semaphore, #tpu.memory_space<semaphore_mem>>) src(%arg10 : memref<80x128xf32, #tpu.memory_space<vmem>>) dst(%dma_wait3A_79 : memref<10000x128xf32, #tpu.memory_space<vmem_shared>>)
        tpu.yield
      }) : () -> ()
    }
    %scan3A_17 = arith.constant 62 : i32
    %dma_wait3A = arith.constant 124 : i32
    %dma_wait3A_18 = arith.constant 0 : i32
    %dma_wait3A_19 = tpu.memref_slice %arg7[%dma_wait3A, %dma_wait3A_18] : memref<125x80xi32, #tpu.memory_space<vmem>> -> memref<1x80xi32, #tpu.memory_space<vmem>>
    %dma_wait3A_20 = tpu.memref_squeeze %dma_wait3A_19 : memref<1x80xi32, #tpu.memory_space<vmem>> -> memref<80xi32, #tpu.memory_space<vmem>>
    %dma_wait3A_21 = arith.constant 0 : i32
    %dma_wait3A_22 = arith.constant 0 : i32
    %dma_wait3A_23 = tpu.memref_slice %arg2[%dma_wait3A_21, %dma_wait3A_22] : memref<10000x128xf32, #tpu.memory_space<hbm>> -> memref<10000x128xf32, #tpu.memory_space<hbm>>
    tpu.wait_indirect_dma semaphore(%arg12 : memref<!tpu.dma_semaphore, #tpu.memory_space<semaphore_mem>>) src(%dma_wait3A_23 : memref<10000x128xf32, #tpu.memory_space<hbm>>) dst(%arg9 : memref<80x128xf32, #tpu.memory_space<vmem>>)
    %run_scoped3A = arith.constant 124 : i32
    "tpu.region"() ({
      %run_scoped3A_32 = tpu.sem_alloc : memref<!tpu.dma_semaphore, #tpu.memory_space<semaphore_mem>>
      %dma_start3A_33 = arith.constant 0 : i32
      %dma_start3A_34 = tpu.memref_slice %arg8[%run_scoped3A, %dma_start3A_33] : memref<125x80xi32, #tpu.memory_space<vmem>> -> memref<1x80xi32, #tpu.memory_space<vmem>>
      %dma_start3A_35 = tpu.memref_squeeze %dma_start3A_34 : memref<1x80xi32, #tpu.memory_space<vmem>> -> memref<80xi32, #tpu.memory_space<vmem>>
      %dma_start3A_36 = arith.constant 0 : i32
      %dma_start3A_37 = arith.constant 0 : i32
      %dma_start3A_38 = tpu.memref_slice %arg11[%dma_start3A_36, %dma_start3A_37] : memref<10000x128xf32, #tpu.memory_space<vmem_shared>> -> memref<10000x128xf32, #tpu.memory_space<vmem_shared>>
      tpu.enqueue_indirect_dma source(%arg9 : memref<80x128xf32, #tpu.memory_space<vmem>>) target(%dma_start3A_38 : memref<10000x128xf32, #tpu.memory_space<vmem_shared>>) offsets(%dma_start3A_35 : memref<80xi32, #tpu.memory_space<vmem>>) semaphore(%run_scoped3A_32 : memref<!tpu.dma_semaphore, #tpu.memory_space<semaphore_mem>>) {add = true}
      %dma_wait3A_39 = arith.constant 0 : i32
      %dma_wait3A_40 = tpu.memref_slice %arg8[%run_scoped3A, %dma_wait3A_39] : memref<125x80xi32, #tpu.memory_space<vmem>> -> memref<1x80xi32, #tpu.memory_space<vmem>>
      %dma_wait3A_41 = tpu.memref_squeeze %dma_wait3A_40 : memref<1x80xi32, #tpu.memory_space<vmem>> -> memref<80xi32, #tpu.memory_space<vmem>>
      %dma_wait3A_42 = arith.constant 0 : i32
      %dma_wait3A_43 = arith.constant 0 : i32
      %dma_wait3A_44 = tpu.memref_slice %arg11[%dma_wait3A_42, %dma_wait3A_43] : memref<10000x128xf32, #tpu.memory_space<vmem_shared>> -> memref<10000x128xf32, #tpu.memory_space<vmem_shared>>
      tpu.wait_indirect_dma semaphore(%run_scoped3A_32 : memref<!tpu.dma_semaphore, #tpu.memory_space<semaphore_mem>>) src(%arg9 : memref<80x128xf32, #tpu.memory_space<vmem>>) dst(%dma_wait3A_44 : memref<10000x128xf32, #tpu.memory_space<vmem_shared>>)
      tpu.yield
    }) : () -> ()
    %barrier3A_24 = arith.constant 0 : index
    tpu.barrier barrier_id(%barrier3A_24)
    %mul3A_25 = arith.constant 624 : i32
    %mul3A_26 = arith.muli %arg1, %mul3A_25 : i32
    "tpu.region"() ({
      %run_scoped3A_32 = tpu.sem_alloc : memref<!tpu.dma_semaphore, #tpu.memory_space<semaphore_mem>>
      %dma_start3A_33 = arith.constant 0 : i32
      %dma_start3A_34 = tpu.memref_slice %arg6[%arg0, %mul3A_26, %dma_start3A_33] : memref<2x10000x128xf32, #tpu.memory_space<hbm>> -> memref<1x624x128xf32, #tpu.memory_space<hbm>>
      %dma_start3A_35 = tpu.memref_squeeze %dma_start3A_34 : memref<1x624x128xf32, #tpu.memory_space<hbm>> -> memref<624x128xf32, #tpu.memory_space<hbm>>
      %dma_start3A_36 = arith.constant 0 : i32
      %dma_start3A_37 = tpu.memref_slice %arg11[%mul3A_26, %dma_start3A_36] : memref<10000x128xf32, #tpu.memory_space<vmem_shared>> -> memref<624x128xf32, #tpu.memory_space<vmem_shared>>
      tpu.enqueue_dma source(%dma_start3A_37 : memref<624x128xf32, #tpu.memory_space<vmem_shared>>) target(%dma_start3A_35 : memref<624x128xf32, #tpu.memory_space<hbm>>) target_semaphore(%run_scoped3A_32 : memref<!tpu.dma_semaphore, #tpu.memory_space<semaphore_mem>>)
      %dma_wait3A_38 = arith.constant 0 : i32
      %dma_wait3A_39 = tpu.memref_slice %arg6[%arg0, %mul3A_26, %dma_wait3A_38] : memref<2x10000x128xf32, #tpu.memory_space<hbm>> -> memref<1x624x128xf32, #tpu.memory_space<hbm>>
      %dma_wait3A_40 = tpu.memref_squeeze %dma_wait3A_39 : memref<1x624x128xf32, #tpu.memory_space<hbm>> -> memref<624x128xf32, #tpu.memory_space<hbm>>
      %dma_wait3A_41 = arith.constant 0 : i32
      %dma_wait3A_42 = tpu.memref_slice %arg11[%mul3A_26, %dma_wait3A_41] : memref<10000x128xf32, #tpu.memory_space<vmem_shared>> -> memref<624x128xf32, #tpu.memory_space<vmem_shared>>
      tpu.wait_dma2 semaphore(%run_scoped3A_32 : memref<!tpu.dma_semaphore, #tpu.memory_space<semaphore_mem>>) src(%dma_wait3A_42 : memref<624x128xf32, #tpu.memory_space<vmem_shared>>) dst(%dma_wait3A_40 : memref<624x128xf32, #tpu.memory_space<hbm>>)
      tpu.yield
    }) : () -> ()
    %eq3A_27 = arith.constant 15 : i32
    %eq3A_28 = arith.cmpi eq, %arg1, %eq3A_27 : i32
    %convert_element_type3A_29 = arith.extui %eq3A_28 : i1 to i32
    %cond3A_30 = arith.constant 0 : i32
    %cond3A_31 = arith.cmpi ne, %convert_element_type3A_29, %cond3A_30 : i32
    scf.if %cond3A_31 {
      "tpu.region"() ({
        %run_scoped3A_32 = tpu.sem_alloc : memref<!tpu.dma_semaphore, #tpu.memory_space<semaphore_mem>>
        %dma_start3A_33 = arith.constant 9984 : i32
        %dma_start3A_34 = arith.constant 0 : i32
        %dma_start3A_35 = tpu.memref_slice %arg6[%arg0, %dma_start3A_33, %dma_start3A_34] : memref<2x10000x128xf32, #tpu.memory_space<hbm>> -> memref<1x16x128xf32, #tpu.memory_space<hbm>>
        %dma_start3A_36 = tpu.memref_squeeze %dma_start3A_35 : memref<1x16x128xf32, #tpu.memory_space<hbm>> -> memref<16x128xf32, #tpu.memory_space<hbm>>
        %dma_start3A_37 = arith.constant 9984 : i32
        %dma_start3A_38 = arith.constant 0 : i32
        %dma_start3A_39 = tpu.memref_slice %arg11[%dma_start3A_37, %dma_start3A_38] : memref<10000x128xf32, #tpu.memory_space<vmem_shared>> -> memref<16x128xf32, #tpu.memory_space<vmem_shared>>
        tpu.enqueue_dma source(%dma_start3A_39 : memref<16x128xf32, #tpu.memory_space<vmem_shared>>) target(%dma_start3A_36 : memref<16x128xf32, #tpu.memory_space<hbm>>) target_semaphore(%run_scoped3A_32 : memref<!tpu.dma_semaphore, #tpu.memory_space<semaphore_mem>>)
        %dma_wait3A_40 = arith.constant 9984 : i32
        %dma_wait3A_41 = arith.constant 0 : i32
        %dma_wait3A_42 = tpu.memref_slice %arg6[%arg0, %dma_wait3A_40, %dma_wait3A_41] : memref<2x10000x128xf32, #tpu.memory_space<hbm>> -> memref<1x16x128xf32, #tpu.memory_space<hbm>>
        %dma_wait3A_43 = tpu.memref_squeeze %dma_wait3A_42 : memref<1x16x128xf32, #tpu.memory_space<hbm>> -> memref<16x128xf32, #tpu.memory_space<hbm>>
        %dma_wait3A_44 = arith.constant 9984 : i32
        %dma_wait3A_45 = arith.constant 0 : i32
        %dma_wait3A_46 = tpu.memref_slice %arg11[%dma_wait3A_44, %dma_wait3A_45] : memref<10000x128xf32, #tpu.memory_space<vmem_shared>> -> memref<16x128xf32, #tpu.memory_space<vmem_shared>>
        tpu.wait_dma2 semaphore(%run_scoped3A_32 : memref<!tpu.dma_semaphore, #tpu.memory_space<semaphore_mem>>) src(%dma_wait3A_46 : memref<16x128xf32, #tpu.memory_space<vmem_shared>>) dst(%dma_wait3A_43 : memref<16x128xf32, #tpu.memory_space<hbm>>)
        tpu.yield
      }) : () -> ()
    } else {
    }
    return
  }
}

module attributes {stable_mosaic.version = 14 : i64} {
  func.func @body(%arg0: i32, %arg1: memref<2000x128xf32, #tpu.memory_space<vmem>>, %arg2: memref<128x128xf32, #tpu.memory_space<vmem>>, %arg3: memref<2000x2xf32, #tpu.memory_space<vmem>>, %arg4: memref<2000x128xf32, #tpu.memory_space<vmem>>) attributes {dimension_semantics = [#tpu.dimension_semantics<arbitrary>], iteration_bounds = array<i64: 5>, scalar_prefetch = 0 : i64, scratch_operands = 0 : i64, tpu.core_type = #tpu.core_type<tc>, window_params = [{transform_indices = @transform_0, window_bounds = array<i64: 2000, 128>}, {pipeline_mode = #tpu.pipeline_mode<synchronous>, transform_indices = @transform_1, window_bounds = array<i64: 128, 128>}, {transform_indices = @transform_2, window_bounds = array<i64: 2000, 2>}, {transform_indices = @transform_3, window_bounds = array<i64: 2000, 128>}]} {
    %get3A = arith.constant 0 : index
    %get3A_0 = arith.constant 0 : index
    %get3A_1 = vector.load %arg1[%get3A, %get3A_0] : memref<2000x128xf32, #tpu.memory_space<vmem>>, vector<2000x128xf32>
    %get3A_2 = arith.constant 0 : index
    %get3A_3 = arith.constant 0 : index
    %get3A_4 = vector.load %arg2[%get3A_2, %get3A_3] : memref<128x128xf32, #tpu.memory_space<vmem>>, vector<128x128xf32>
    %dot_general3A = arith.constant dense<0.000000e+00> : vector<2000x128xf32>
    %dot_general3A_5 = tpu.matmul %get3A_1, %get3A_4, %dot_general3A {dimension_numbers = #tpu.dot_dimension_numbers<[1], [0], [0], [1], [0, 0, 1, 1], [], []>, transpose_lhs_hint = false} : vector<2000x128xf32>, vector<128x128xf32>, vector<2000x128xf32> -> vector<2000x128xf32>
    %get3A_6 = arith.constant 0 : index
    %get3A_7 = arith.constant 0 : index
    %get3A_8 = vector.load %arg3[%get3A_6, %get3A_7] : memref<2000x2xf32, #tpu.memory_space<vmem>>, vector<2000x1xf32>
    %get3A_9 = arith.constant 0 : index
    %get3A_10 = arith.constant 1 : index
    %get3A_11 = vector.load %arg3[%get3A_9, %get3A_10] : memref<2000x2xf32, #tpu.memory_space<vmem>>, vector<2000x1xf32>
    %add3A = arith.addf %get3A_8, %get3A_11 : vector<2000x1xf32>
    %add3A_12 = arith.constant 1.000000e+00 : f32
    %add3A_13 = vector.broadcast %add3A_12 : f32 to vector<2000x1xf32>
    %add3A_14 = arith.addf %add3A, %add3A_13 : vector<2000x1xf32>
    %rsqrt3A = math.rsqrt %add3A_14 : vector<2000x1xf32>
    %mul3A = vector.broadcast %rsqrt3A : vector<2000x1xf32> to vector<2000x128xf32>
    %mul3A_15 = arith.mulf %dot_general3A_5, %mul3A : vector<2000x128xf32>
    %swap3A = arith.constant 0 : index
    %swap3A_16 = arith.constant 0 : index
    %swap3A_17 = vector.load %arg4[%swap3A, %swap3A_16] : memref<2000x128xf32, #tpu.memory_space<vmem>>, vector<2000x128xf32>
    tpu.vector_store %arg4[%swap3A, %swap3A_16], %mul3A_15 {strides = array<i32>} : memref<2000x128xf32, #tpu.memory_space<vmem>>, vector<2000x128xf32>,
    return
  }
  func.func @transform_0(%arg0: i32) -> (i32, i32) {
    %c0_i32 = arith.constant 0 : i32
    %c0_i32_0 = arith.constant 0 : i32
    return %arg0, %c0_i32 : i32, i32
  }
  func.func @transform_1(%arg0: i32) -> (i32, i32) {
    %c0_i32 = arith.constant 0 : i32
    %c0_i32_0 = arith.constant 0 : i32
    %c0_i32_1 = arith.constant 0 : i32
    return %c0_i32, %c0_i32_0 : i32, i32
  }
  func.func @transform_2(%arg0: i32) -> (i32, i32) {
    %c0_i32 = arith.constant 0 : i32
    %c0_i32_0 = arith.constant 0 : i32
    return %arg0, %c0_i32 : i32, i32
  }
  func.func @transform_3(%arg0: i32) -> (i32, i32) {
    %c0_i32 = arith.constant 0 : i32
    %c0_i32_0 = arith.constant 0 : i32
    return %arg0, %c0_i32 : i32, i32
  }
}

module attributes {stable_mosaic.version = 14 : i64} {
  func.func @body(%arg0: i32, %arg1: memref<2x2000x128xf32, #tpu.memory_space<vmem>>, %arg2: memref<2000x2xf32, #tpu.memory_space<vmem>>, %arg3: memref<1x128xf32, #tpu.memory_space<vmem>>, %arg4: memref<128x128xf32, #tpu.memory_space<vmem>>, %arg5: memref<2000x128xf32, #tpu.memory_space<vmem>>) attributes {dimension_semantics = [#tpu.dimension_semantics<arbitrary>], iteration_bounds = array<i64: 5>, scalar_prefetch = 0 : i64, scratch_operands = 0 : i64, tpu.core_type = #tpu.core_type<tc>, window_params = [{transform_indices = @transform_0, window_bounds = array<i64: 2, 2000, 128>}, {transform_indices = @transform_1, window_bounds = array<i64: 2000, 2>}, {pipeline_mode = #tpu.pipeline_mode<synchronous>, transform_indices = @transform_2, window_bounds = array<i64: 1, 128>}, {pipeline_mode = #tpu.pipeline_mode<synchronous>, transform_indices = @transform_3, window_bounds = array<i64: 128, 128>}, {transform_indices = @transform_4, window_bounds = array<i64: 2000, 128>}]} {
    %get3A = arith.constant 0 : index
    %get3A_0 = arith.constant 0 : index
    %get3A_1 = vector.load %arg2[%get3A, %get3A_0] : memref<2000x2xf32, #tpu.memory_space<vmem>>, vector<2000x1xf32>
    %get3A_2 = arith.constant 0 : index
    %get3A_3 = arith.constant 1 : index
    %get3A_4 = vector.load %arg2[%get3A_2, %get3A_3] : memref<2000x2xf32, #tpu.memory_space<vmem>>, vector<2000x1xf32>
    %add3A = arith.addf %get3A_1, %get3A_4 : vector<2000x1xf32>
    %add3A_5 = arith.constant 1.000000e+00 : f32
    %add3A_6 = vector.broadcast %add3A_5 : f32 to vector<2000x1xf32>
    %add3A_7 = arith.addf %add3A, %add3A_6 : vector<2000x1xf32>
    %rsqrt3A = math.rsqrt %add3A_7 : vector<2000x1xf32>
    %get3A_8 = arith.constant 0 : index
    %get3A_9 = arith.constant 0 : index
    %get3A_10 = arith.constant 0 : index
    %get3A_11 = vector.load %arg1[%get3A_8, %get3A_9, %get3A_10] : memref<2x2000x128xf32, #tpu.memory_space<vmem>>, vector<1x2000x128xf32>
    %get3A_12 = vector.shape_cast %get3A_11 : vector<1x2000x128xf32> to vector<2000x128xf32>
    %get3A_13 = arith.constant 1 : index
    %get3A_14 = arith.constant 0 : index
    %get3A_15 = arith.constant 0 : index
    %get3A_16 = vector.load %arg1[%get3A_13, %get3A_14, %get3A_15] : memref<2x2000x128xf32, #tpu.memory_space<vmem>>, vector<1x2000x128xf32>
    %get3A_17 = vector.shape_cast %get3A_16 : vector<1x2000x128xf32> to vector<2000x128xf32>
    %add3A_18 = arith.addf %get3A_12, %get3A_17 : vector<2000x128xf32>
    %mul3A = vector.broadcast %rsqrt3A : vector<2000x1xf32> to vector<2000x128xf32>
    %mul3A_19 = arith.mulf %mul3A, %add3A_18 : vector<2000x128xf32>
    %get3A_20 = arith.constant 0 : index
    %get3A_21 = arith.constant 0 : index
    %get3A_22 = vector.load %arg3[%get3A_20, %get3A_21] : memref<1x128xf32, #tpu.memory_space<vmem>>, vector<1x128xf32>
    %add3A_23 = vector.broadcast %get3A_22 : vector<1x128xf32> to vector<2000x128xf32>
    %add3A_24 = arith.addf %mul3A_19, %add3A_23 : vector<2000x128xf32>
    %max3A = arith.constant 0.000000e+00 : f32
    %max3A_25 = vector.broadcast %max3A : f32 to vector<2000x128xf32>
    %max3A_26 = arith.maximumf %add3A_24, %max3A_25 : vector<2000x128xf32>
    %get3A_27 = arith.constant 0 : index
    %get3A_28 = arith.constant 0 : index
    %get3A_29 = vector.load %arg4[%get3A_27, %get3A_28] : memref<128x128xf32, #tpu.memory_space<vmem>>, vector<128x128xf32>
    %dot_general3A = arith.constant dense<0.000000e+00> : vector<2000x128xf32>
    %dot_general3A_30 = tpu.matmul %max3A_26, %get3A_29, %dot_general3A {dimension_numbers = #tpu.dot_dimension_numbers<[1], [0], [0], [1], [0, 0, 1, 1], [], []>, transpose_lhs_hint = false} : vector<2000x128xf32>, vector<128x128xf32>, vector<2000x128xf32> -> vector<2000x128xf32>
    %mul3A_31 = vector.broadcast %rsqrt3A : vector<2000x1xf32> to vector<2000x128xf32>
    %mul3A_32 = arith.mulf %dot_general3A_30, %mul3A_31 : vector<2000x128xf32>
    %swap3A = arith.constant 0 : index
    %swap3A_33 = arith.constant 0 : index
    %swap3A_34 = vector.load %arg5[%swap3A, %swap3A_33] : memref<2000x128xf32, #tpu.memory_space<vmem>>, vector<2000x128xf32>
    tpu.vector_store %arg5[%swap3A, %swap3A_33], %mul3A_32 {strides = array<i32>} : memref<2000x128xf32, #tpu.memory_space<vmem>>, vector<2000x128xf32>,
    return
  }
  func.func @transform_0(%arg0: i32) -> (i32, i32, i32) {
    %c0_i32 = arith.constant 0 : i32
    %c0_i32_0 = arith.constant 0 : i32
    %c0_i32_1 = arith.constant 0 : i32
    return %c0_i32, %arg0, %c0_i32_0 : i32, i32, i32
  }
  func.func @transform_1(%arg0: i32) -> (i32, i32) {
    %c0_i32 = arith.constant 0 : i32
    %c0_i32_0 = arith.constant 0 : i32
    return %arg0, %c0_i32 : i32, i32
  }
  func.func @transform_2(%arg0: i32) -> (i32, i32) {
    %c0_i32 = arith.constant 0 : i32
    %c0_i32_0 = arith.constant 0 : i32
    %c0_i32_1 = arith.constant 0 : i32
    return %c0_i32, %c0_i32_0 : i32, i32
  }
  func.func @transform_3(%arg0: i32) -> (i32, i32) {
    %c0_i32 = arith.constant 0 : i32
    %c0_i32_0 = arith.constant 0 : i32
    %c0_i32_1 = arith.constant 0 : i32
    return %c0_i32, %c0_i32_0 : i32, i32
  }
  func.func @transform_4(%arg0: i32) -> (i32, i32) {
    %c0_i32 = arith.constant 0 : i32
    %c0_i32_0 = arith.constant 0 : i32
    return %arg0, %c0_i32 : i32, i32
  }
}

module attributes {stable_mosaic.version = 14 : i64} {
  func.func @body(%arg0: i32, %arg1: memref<2x2000x128xf32, #tpu.memory_space<vmem>>, %arg2: memref<2000x2xf32, #tpu.memory_space<vmem>>, %arg3: memref<1x64xf32, #tpu.memory_space<vmem>>, %arg4: memref<1x64xf32, #tpu.memory_space<vmem>>, %arg5: memref<2000x64xf32, #tpu.memory_space<vmem>>, %arg6: memref<2000x64xf32, #tpu.memory_space<vmem>>) attributes {dimension_semantics = [#tpu.dimension_semantics<arbitrary>], iteration_bounds = array<i64: 5>, scalar_prefetch = 0 : i64, scratch_operands = 0 : i64, tpu.core_type = #tpu.core_type<tc>, window_params = [{transform_indices = @transform_0, window_bounds = array<i64: 2, 2000, 128>}, {transform_indices = @transform_1, window_bounds = array<i64: 2000, 2>}, {pipeline_mode = #tpu.pipeline_mode<synchronous>, transform_indices = @transform_2, window_bounds = array<i64: 1, 64>}, {pipeline_mode = #tpu.pipeline_mode<synchronous>, transform_indices = @transform_3, window_bounds = array<i64: 1, 64>}, {transform_indices = @transform_4, window_bounds = array<i64: 2000, 64>}, {transform_indices = @transform_5, window_bounds = array<i64: 2000, 64>}]} {
    %get3A = arith.constant 0 : index
    %get3A_0 = arith.constant 0 : index
    %get3A_1 = vector.load %arg2[%get3A, %get3A_0] : memref<2000x2xf32, #tpu.memory_space<vmem>>, vector<2000x1xf32>
    %get3A_2 = arith.constant 0 : index
    %get3A_3 = arith.constant 1 : index
    %get3A_4 = vector.load %arg2[%get3A_2, %get3A_3] : memref<2000x2xf32, #tpu.memory_space<vmem>>, vector<2000x1xf32>
    %add3A = arith.addf %get3A_1, %get3A_4 : vector<2000x1xf32>
    %add3A_5 = arith.constant 1.000000e+00 : f32
    %add3A_6 = vector.broadcast %add3A_5 : f32 to vector<2000x1xf32>
    %add3A_7 = arith.addf %add3A, %add3A_6 : vector<2000x1xf32>
    %rsqrt3A = math.rsqrt %add3A_7 : vector<2000x1xf32>
    %get3A_8 = arith.constant 0 : index
    %get3A_9 = arith.constant 0 : index
    %get3A_10 = arith.constant 0 : index
    %get3A_11 = vector.load %arg1[%get3A_8, %get3A_9, %get3A_10] : memref<2x2000x128xf32, #tpu.memory_space<vmem>>, vector<1x2000x128xf32>
    %get3A_12 = vector.shape_cast %get3A_11 : vector<1x2000x128xf32> to vector<2000x128xf32>
    %get3A_13 = arith.constant 1 : index
    %get3A_14 = arith.constant 0 : index
    %get3A_15 = arith.constant 0 : index
    %get3A_16 = vector.load %arg1[%get3A_13, %get3A_14, %get3A_15] : memref<2x2000x128xf32, #tpu.memory_space<vmem>>, vector<1x2000x128xf32>
    %get3A_17 = vector.shape_cast %get3A_16 : vector<1x2000x128xf32> to vector<2000x128xf32>
    %add3A_18 = arith.addf %get3A_12, %get3A_17 : vector<2000x128xf32>
    %mul3A = vector.broadcast %rsqrt3A : vector<2000x1xf32> to vector<2000x128xf32>
    %mul3A_19 = arith.mulf %mul3A, %add3A_18 : vector<2000x128xf32>
    %slice3A = vector.extract_strided_slice %mul3A_19 {offsets = [0, 0], sizes = [2000, 64], strides = [1, 1]} : vector<2000x128xf32> to vector<2000x64xf32>
    %get3A_20 = arith.constant 0 : index
    %get3A_21 = arith.constant 0 : index
    %get3A_22 = vector.load %arg3[%get3A_20, %get3A_21] : memref<1x64xf32, #tpu.memory_space<vmem>>, vector<1x64xf32>
    %add3A_23 = vector.broadcast %get3A_22 : vector<1x64xf32> to vector<2000x64xf32>
    %add3A_24 = arith.addf %slice3A, %add3A_23 : vector<2000x64xf32>
    %swap3A = arith.constant 0 : index
    %swap3A_25 = arith.constant 0 : index
    %swap3A_26 = vector.load %arg5[%swap3A, %swap3A_25] : memref<2000x64xf32, #tpu.memory_space<vmem>>, vector<2000x64xf32>
    tpu.vector_store %arg5[%swap3A, %swap3A_25], %add3A_24 {strides = array<i32>} : memref<2000x64xf32, #tpu.memory_space<vmem>>, vector<2000x64xf32>,
    %slice3A_27 = vector.extract_strided_slice %mul3A_19 {offsets = [0, 64], sizes = [2000, 64], strides = [1, 1]} : vector<2000x128xf32> to vector<2000x64xf32>
    %get3A_28 = arith.constant 0 : index
    %get3A_29 = arith.constant 0 : index
    %get3A_30 = vector.load %arg4[%get3A_28, %get3A_29] : memref<1x64xf32, #tpu.memory_space<vmem>>, vector<1x64xf32>
    %add3A_31 = vector.broadcast %get3A_30 : vector<1x64xf32> to vector<2000x64xf32>
    %add3A_32 = arith.addf %slice3A_27, %add3A_31 : vector<2000x64xf32>
    %swap3A_33 = arith.constant 0 : index
    %swap3A_34 = arith.constant 0 : index
    %swap3A_35 = vector.load %arg6[%swap3A_33, %swap3A_34] : memref<2000x64xf32, #tpu.memory_space<vmem>>, vector<2000x64xf32>
    tpu.vector_store %arg6[%swap3A_33, %swap3A_34], %add3A_32 {strides = array<i32>} : memref<2000x64xf32, #tpu.memory_space<vmem>>, vector<2000x64xf32>,
    return
  }
  func.func @transform_0(%arg0: i32) -> (i32, i32, i32) {
    %c0_i32 = arith.constant 0 : i32
    %c0_i32_0 = arith.constant 0 : i32
    %c0_i32_1 = arith.constant 0 : i32
    return %c0_i32, %arg0, %c0_i32_0 : i32, i32, i32
  }
  func.func @transform_1(%arg0: i32) -> (i32, i32) {
    %c0_i32 = arith.constant 0 : i32
    %c0_i32_0 = arith.constant 0 : i32
    return %arg0, %c0_i32 : i32, i32
  }
  func.func @transform_2(%arg0: i32) -> (i32, i32) {
    %c0_i32 = arith.constant 0 : i32
    %c0_i32_0 = arith.constant 0 : i32
    %c0_i32_1 = arith.constant 0 : i32
    return %c0_i32, %c0_i32_0 : i32, i32
  }
  func.func @transform_3(%arg0: i32) -> (i32, i32) {
    %c0_i32 = arith.constant 0 : i32
    %c0_i32_0 = arith.constant 0 : i32
    %c0_i32_1 = arith.constant 0 : i32
    return %c0_i32, %c0_i32_0 : i32, i32
  }
  func.func @transform_4(%arg0: i32) -> (i32, i32) {
    %c0_i32 = arith.constant 0 : i32
    %c0_i32_0 = arith.constant 0 : i32
    return %arg0, %c0_i32 : i32, i32
  }
  func.func @transform_5(%arg0: i32) -> (i32, i32) {
    %c0_i32 = arith.constant 0 : i32
    %c0_i32_0 = arith.constant 0 : i32
    return %arg0, %c0_i32 : i32, i32
  }
}

</mosaic_0001>

<sc_bundles>
// kernel: kernel.11.cloned.1.call-start
scs
__scs_entry_jumppad:
0x0: {  	(pc) =	sbr.rel $0x88, $3  }
0x1: {  	(tag) =	ssettag $0x0;
	lr =	simm.s32 $0x1  }
0x2: {  	[smem:$0x3F99] =	sst lr;
	_ =	strace $0xD0000000  }
0x3: {  	_ = 	snop  }
0x4: {  	_ = 	snop  }
0x5: {  	_ = 	snop  }
0x6: {  	_ = 	snop  }
0x7: {  	_ = 	snop  }
__scs_overlays_trampoline_lowered:
0x8: {  	[smem:$0x3FA8] =	sst s0  }
0x9: {  	[smem:$0x3FA9] =	sst s1  }
0xa: {  	[smem:$0x3FAA] =	sst s2  }
0xb: {  	[smem:$0x3FAB] =	sst s3  }
0xc: {  	[smem:$0x3FAC] =	sst s4  }
0xd: {  	[smem:$0x3FAD] =	sst s5  }
0xe: {  	[smem:$0x3FAE] =	sst s6  }
0xf: {  	[smem:$0x3FAF] =	sst s7  }
0x10: {  	[smem:$0x3FB0] =	sst s8  }
0x11: {  	[smem:$0x3FB1] =	sst s9;
	s0 =	simm.s32 @!p0 $0x0  }
0x12: {  	s1 =	sld [smem:$0x3F97];
	s0 =	simm.s32 @p0 $0x1  }
0x13: {  	[smem:$0x3FB2] =	sst s0;
	s0 =	simm.s32 @!p1 $0x0  }
0x14: {  	s2 =	sld [smem:$0x3F96];
	s0 =	simm.s32 @p1 $0x1  }
0x15: {  	[smem:$0x3FB3] =	sst s0;
	s0 =	simm.s32 @!p2 $0x0  }
0x16: {  	s3 =	sld [smem:$0x3FDB];
	s0 =	simm.s32 @p2 $0x1  }
0x17: {  	s4 =	simm.s32 $0x1BF5;
	[smem:$0x3FB5] =	sst s0  }
0x18: {  	s0 =	sld [smem:$0x3F98];
	_ =	swait.ge [sflag:s4], $0x0  }
0x19: {  	s7 =	sld [smem:$0x3F99]  }
0x1a: {  	s8 =	sadd.s32 $0xFFFFE003, lr  }
0x1b: {  	s9 =	sadd.s32 $0xFFFFFEF7, lr;
	s5 =	simm.s32 $0xFFFFFFFF;
	p2 =	slt.u32 s8, $0xFFFFF086  }
0x1c: {  	p1 =	slt.u32 s9, $0xF7A;
	s5 =	simm.s32 @!p2 $0x0  }
0x1d: {  	s5 =	simm.s32 @p1 $0x1;
	p0 =	seq.s32 s7, s2  }
0x1e: {  	s7 =	smul.u32 @!p0 $0xF7A, s2;
	p2 =	seq.s32 @!p0 s5, $0x0  }
0x1f: {  	s9 =	smul.u32 $0xF7A, s1;
	s8 =	simm.s32 @!p0 $0x1BF5;
	p2 =	por !p2, p0  }
0x20: {  	[sflag:s8] =	ssyncset.s32 @!p0 $0xFFFFF086;
	s6 =	sadd.s32 @!p0 s3, s7;
	s7 =	simm.s32 @!p0 $0x108  }
0x21: {  	s3 =	sadd.s32 s3, s9;
	s6 =	sadd.s32 @!p0 $0x88, s6;
	s7 =	simm.s32 @p2 $0x1082  }
0x22: {  	[simem:s7], [sflag:s8] =	dma.local @!p0 [hbm:s6], $0xF7A  }
0x23: {  	s9 =	sor.u32 $0xD0000000, s2;
	s6 =	simm.s32 $0x108;
	_ =	swait.ge @!p0 [sflag:s8], $0x0  }
0x24: {  	s3 =	sadd.s32 $0x88, s3;
	s6 =	simm.s32 @!p1 $0x1082;
	[sflag:s4] =	ssyncset.s32 $0xFFFFF086  }
0x25: {  	[simem:s6], [sflag:s4] =	dma.local [hbm:s3], $0xF7A  }
0x26: {  	[smem:$0x3F99] =	sst s1;
	(tag) =	ssettag s2;
	_ =	strace s9  }
0x27: {  	s1 =	sld [smem:$0x3FA9]  }
0x28: {  	s2 =	sld [smem:$0x3FAA]  }
0x29: {  	s4 =	sld [smem:$0x3FAC]  }
0x2a: {  	p0 =	seq.s32 s5, $0x0;
	s5 =	sld [smem:$0x3FAD]  }
0x2b: {  	s6 =	sld [smem:$0x3FAE]  }
0x2c: {  	s7 =	sld [smem:$0x3FAF]  }
0x2d: {  	s3 =	simm.s32 $0x108;
	s8 =	sld [smem:$0x3FB0]  }
0x2e: {  	s3 =	simm.s32 @!p0 $0x1082;
	s9 =	sld [smem:$0x3FB1]  }
0x2f: {  	lr =	sadd.s32 s0, s3;
	s0 =	sld [smem:$0x3FA8]  }
0x30: {  	s3 =	sld [smem:$0x3FAB]  }
0x31: {  	[smem:$0x3FB4] =	sst s10  }
0x32: {  	s10 =	sld [smem:$0x3FB2];
	_ =	sdelay $0x3  }
0x33: {  	p0 =	seq.s32 s10, $0x1;
	s10 =	sld [smem:$0x3FB4];
	_ =	sdelay $0x3  }
0x34: {  	[smem:$0x3FB4] =	sst s10  }
0x35: {  	s10 =	sld [smem:$0x3FB3];
	_ =	sdelay $0x3  }
0x36: {  	p1 =	seq.s32 s10, $0x1;
	s10 =	sld [smem:$0x3FB4];
	_ =	sdelay $0x3  }
0x37: {  	[smem:$0x3FB4] =	sst s10  }
0x38: {  	s10 =	sld [smem:$0x3FB5]  }
0x39: {  	_ = 	snop;
	(pc) =	sbr.ind lr, $3  }
0x3a: {  	_ = 	snop  }
0x3b: {  	_ = 	snop  }
0x3c: {  	p2 =	seq.s32 s10, $0x1;
	s10 =	sld [smem:$0x3FB4]  }
0x3d: {  	_ =	shalt  }
0x3e: {  	_ =	shalt  }
0x3f: {  	_ =	shalt  }
0x40: {  	_ =	shalt  }
0x41: {  	_ =	shalt  }
0x42: {  	_ =	shalt  }
0x43: {  	_ =	shalt  }
0x44: {  	_ =	shalt  }
0x45: {  	_ =	shalt  }
0x46: {  	_ =	shalt  }
0x47: {  	_ =	shalt  }
0x48: {  	_ =	shalt  }
0x49: {  	_ =	shalt  }
0x4a: {  	_ =	shalt  }
0x4b: {  	_ =	shalt  }
0x4c: {  	_ =	shalt  }
0x4d: {  	_ =	shalt  }
0x4e: {  	_ =	shalt  }
0x4f: {  	_ =	shalt  }
0x50: {  	_ =	shalt  }
0x51: {  	_ =	shalt  }
0x52: {  	_ =	shalt  }
0x53: {  	_ =	shalt  }
0x54: {  	_ =	shalt  }
0x55: {  	_ =	shalt  }
0x56: {  	_ =	shalt  }
0x57: {  	_ =	shalt  }
0x58: {  	_ =	shalt  }
0x59: {  	_ =	shalt  }
0x5a: {  	_ =	shalt  }
0x5b: {  	_ =	shalt  }
0x5c: {  	_ =	shalt  }
0x5d: {  	_ =	shalt  }
0x5e: {  	_ =	shalt  }
0x5f: {  	_ =	shalt  }
0x60: {  	_ =	shalt  }
0x61: {  	_ =	shalt  }
0x62: {  	_ =	shalt  }
0x63: {  	_ =	shalt  }
0x64: {  	_ =	shalt  }
0x65: {  	_ =	shalt  }
0x66: {  	_ =	shalt  }
0x67: {  	_ =	shalt  }
0x68: {  	_ =	shalt  }
0x69: {  	_ =	shalt  }
0x6a: {  	_ =	shalt  }
0x6b: {  	_ =	shalt  }
0x6c: {  	_ =	shalt  }
0x6d: {  	_ =	shalt  }
0x6e: {  	_ =	shalt  }
0x6f: {  	_ =	shalt  }
0x70: {  	_ =	shalt  }
0x71: {  	_ =	shalt  }
0x72: {  	_ =	shalt  }
0x73: {  	_ =	shalt  }
0x74: {  	_ =	shalt  }
0x75: {  	_ =	shalt  }
0x76: {  	_ =	shalt  }
0x77: {  	_ =	shalt  }
0x78: {  	_ =	shalt  }
0x79: {  	_ =	shalt  }
0x7a: {  	_ =	shalt  }
0x7b: {  	_ =	shalt  }
0x7c: {  	_ =	shalt  }
0x7d: {  	_ =	shalt  }
0x7e: {  	_ =	shalt  }
0x7f: {  	_ =	shalt  }
0x80: {  	_ =	shalt  }
0x81: {  	_ =	shalt  }
0x82: {  	_ =	shalt  }
0x83: {  	_ =	shalt  }
0x84: {  	_ =	shalt  }
0x85: {  	_ =	shalt  }
0x86: {  	_ =	shalt  }
0x87: {  	_ =	shalt  }
.Lfunc_end0:
.L_simem_size_0:
called_computation.1_lowered:
.L_overlay_start_0:
0x88: {  	s2 =	sld [smem:$0x3FD9]  }
0x89: {  	s3 =	sld [smem:$0x3FFE];
	_ =	sdelay $0x1  }
0x8a: {  	s1 =	srdreg.scid  }
0x8b: {  	s0 =	sand.u32 $0x1, s1  }
0x8c: {  	s14 =	sshll.u32 s0, $0xA;
	s2 =	sadd.s32 s3, s2  }
0x8d: {  	s2 =	sadd.s32 s2, s14  }
0x8e: {  	[smem:$0x3FC0] =	sst s2  }
0x8f: {  	_ = 	snop  }
0x90: {  	s2 =	sld [smem:$0x3FD0];
	_ =	sdelay $0x2  }
0x91: {  	s15 =	simm.s32 $0xA;
	s4 =	simm.s32 $0x10  }
0x92: {  	[smem:s4], [sflag:s15] =	dma.local [hbm:s2], $0x1  }
0x93: {  	_ =	swait.eq [sflag:s15], $0x1  }
0x94: {  	[sflag:s15] =	ssyncset.done $0x0  }
0x95: {  	[sflag:s15] =	ssyncadd.s32 $0xFFFFFFFF  }
0x96: {  	s16 =	sld [smem:$0x10];
	(tm) =	ssettm $0x1  }
0x97: {  	s17 =	sld [smem:$0x3FFB];
	_ =	sdelay $0x3  }
0x98: {  	_ =	strace s17  }
0x99: {  	s3 =	sld [smem:$0x3FFC];
	_ =	sdelay $0x3  }
0x9a: {  	_ =	strace s3  }
0x9b: {  	s3 =	sld [smem:$0x3FFD];
	_ =	sdelay $0x3  }
0x9c: {  	_ =	strace s3  }
0x9d: {  	_ =	strace $0x8FFFFFFF  }
0x9e: {  	s18 =	sld [smem:$0x3FDB];
	_ =	sdelay $0x1  }
0x9f: {  	s19 =	simm.s32 $_scs_section_size  }
0xa0: {  	s5 =	simm.s32 $_size__tile_overlayer_lowered;
	s6 =	simm.s32 $_tile_overlayer_lowered  }
0xa1: {  	s22 =	simm.s32 $0x1BFF;
	s21 =	sshll.u32 s6, $0x1;
	s3 =	sadd.s32 s19, s18  }
0xa2: {  	s7 =	simm.s32 $0x0;
	s20 =	sshll.u32 s5, $0x1;
	s5 =	sadd.s32 s21, s3  }
0xa3: {  	[timem:s7], [sflag:s22] =	dma.local [hbm:s5], s20  }
0xa4: {  	_ =	swait.ge [sflag:s22], s20  }
0xa5: {  	s4 =	ssub.s32 $0x0, s20;
	[sflag:s22] =	ssyncset.done $0x0  }
0xa6: {  	[sflag:s22] =	ssyncadd.s32 s4;
	_ =	sdelay $0x1  }
0xa7: {  	s23 =	simm.s32 $0x1B8B  }
0xa8: {  	_ =	swait.ge [sflag:s23], $0x1  }
0xa9: {  	[sflag:s23] =	ssyncset.done $0x0  }
0xaa: {  	s25 =	simm.s32 $0x1B8E;
	s24 =	sld [smem:$0x3FFE];
	[sflag:s23] =	ssyncadd.s32 $0xFFFFFFFF  }
0xab: {  	s26 =	simm.s32 $execute0_lowered;
	[smem:$0x3FD2] =	sst s25  }
0xac: {  	s5 =	sshll.u32 s26, $0x1;
	_ =	strace $0x80000049;
	[dreg:$0x1] =	wrdreg $0xFFFFFFFF  }
0xad: {  	s28 =	simm.s32 $_size_execute0_lowered;
	s3 =	sadd.s32 s3, s5;
	[dreg:$0x0] =	wrdreg $0x0  }
0xae: {  	s5 =	sshll.u32 s28, $0x1;
	[dreg:$0x2] =	wrdreg s3  }
0xaf: {  	[dreg:$0x3] =	wrdreg s5  }
0xb0: {  	[dreg:$0x4] =	wrdreg $0xC0  }
0xb1: {  	_ =	task [dreg:s7], $0x5FFFF  }
0xb2: {  	[dreg:$0x1] =	wrdreg $0xFFFFFFFF  }
0xb3: {  	[dreg:$0x0] =	wrdreg $0x60  }
0xb4: {  	[dreg:$0x2] =	wrdreg s24  }
0xb5: {  	[dreg:$0x3] =	wrdreg s16  }
0xb6: {  	[dreg:$0x4] =	wrdreg $0x9E200  }
0xb7: {  	[dreg:$0x5] =	wrdreg $0x9  }
0xb8: {  	_ =	task.clear_ibuf [dreg:s7], $0x6FFFF;
	_ =	strace $0x90000049  }
0xb9: {  	s29 =	simm.s32 $0x9;
	_ =	strace $0x8000004B  }
0xba: {  	_ =	swait.ge [sflag:s29], $0x1  }
0xbb: {  	[sflag:s29] =	ssyncadd.s32 $0xFFFFFFFF  }
0xbc: {  	_ =	strace $0x9000004B  }
0xbd: {  	_ =	sfence  }
0xbe: {  	s30 =	sld [smem:$0x0];
	_ =	sdelay $0x2  }
0xbf: {  	s31 =	sshll.u32 s1, $0xD;
	s1 =	sshrl.u32 s1, $0x2  }
0xc0: {  	s3 =	sand.u32 $0x4000, s31;
	s1 =	sadd.s32 s1, s30  }
0xc1: {  	s0 =	sor.u32 s3, s0;
	s1 =	sshll.u32 s1, $0x11  }
0xc2: {  	s0 =	sor.u32 s1, s0  }
0xc3: {  	s0 =	sadd.s32 $0x8F2B, s0  }
0xc4: {  	[sflag:s0] =	ssyncadd.remote.s32 $0x1  }
0xc5: {  	_ =	sfence.sel $0xFFFF  }
0xc6: {  	[dreg:$0x0] =	wrdreg $0xFFFFFFFF;
	(pc) =	sbr.abs _section_cstart, $3  }
0xc7: {  	[dreg:$0x1] =	wrdreg $0xFFFFFFFF  }
0xc8: {  	_ =	task.clear_ibuf [dreg:s7], $0x2FFFF;
	_ =	strace $0x9FFFFFFF  }
0xc9: {  	(tm) =	ssettm $0x7FFFFFFF  }
tec
execute0_lowered:
.L_overlay_start_1:
0x0: {  	(tag) =	ssettag $0x1  }
0x1: {  	s6 =	rddreg [dreg:$0x0]  }
0x2: {  	s0 =	srdreg.scid;
	s9 =	rddreg [dreg:$0x1]  }
0x3: {  	s2 =	rddreg [dreg:$0x2];
	s1 =	stileid.u32;
	s3 =	simm.s32 $0x0  }
0x4: {  	s19 =	simm.s32 $0x2710;
	s20 =	simm.s32 $0x50;
	s21 =	simm.s32 $0x4E20  }
0x5: {  	s22 =	simm.s32 $0x7620;
	s23 =	simm.s32 $0x1;
	s24 =	simm.s32 $0x2  }
0x6: {  	s25 =	simm.s32 $0x4DD0;
	s14 =	sand.u32 $0x1, s0;
	s0 =	rddreg [dreg:$0x3]  }
0x7: {  	[smem:$0x7FF] =	sst s3;
	s12 =	smul.u32 $0x13800, s1;
	s5 =	sadd.s32 $0x33200, s6  }
0x8: {  	s13 =	sadd.s32 $0x5A400, s6;
	p1 =	seq.s32 s1, $0xF;
	p2 =	sne.s32 s1, $0xF  }
0x9: {  	s4 =	sshll.u32 s14, $0x4;
	_ =	strace $0x8000004A;
	s7 =	ssub.s32 $0x2, s14  }
0xa: {  	s17 =	smul.u32 $0x138800, s14;
	p0 =	sne.s32 s14, $0x0;
	s14 =	sshll.u32 s1, $0x6  }
0xb: {  	s4 =	sor.u32 s1, s4;
	s8 =	sshrl.u32 s7, $0x1;
	s16 =	sadd.s32 s12, s2  }
0xc: {  	s29 =	sshrl.u32 s12, $0x3;
	s10 =	smul.u32 $0x4E2, s4;
	s4 =	sadd.s32 $0xC000, s6  }
0xd: {  	s15 =	ssub.s32 s7, s8;
	s7 =	sadd.s32 $0x138000, s2;
	s12 =	sadd.s32 s12, s17  }
0xe: {  	s17 =	sshrl.u32 s17, $0x3;
	s16 =	sshrl.u32 s16, $0x3;
	s8 =	sadd.s32 s4, s29  }
0xf: {  	s30 =	sshrl.u32 s12, $0x3;
	s31 =	sadd.s32 s13, s17;
	s17 =	simm.s32 $0x3  }
0x10: {  	s18 =	sshrl.u32 s7, $0x3;
	s11 =	sadd.s32 s10, s6;
	s6 =	sadd.s32 s5, s29  }
0x11: {  	s9 =	sadd.s32 s9, s10;
	s12 =	sadd.s32 $0x27000, s31;
	s10 =	sadd.s32 $0x2200, s11  }
0x12: {  	s11 =	sadd.s32 s13, s30;
	s13 =	smax.u32 s15, $0x1;
	s15 =	sor.u32 $0x1C03, s14  }
.LBB2_1:
.Ltmp0:
0x13: {  	(pc) =	sbr.rel @p0 .LBB2_3-.Ltmp0, $1  }
0x14: {  	_ =	sdelay $0x3  }
0x15: {  	[spmem:s16], [sflag:s15] =	dma.local [hbm:s8], $0x2700  }
.Ltmp1:
0x16: {  	_ = 	snop;
	(pc) =	sbr.rel @p1 .LBB2_4-.Ltmp1, $4  }
.Ltmp2:
0x17: {  	_ = 	snop;
	(pc) =	sbr.rel @!p1 .LBB2_5-.Ltmp2, $4  }
0x18: {  	_ =	swait.ge [sflag:s17], $0x2700  }
0x19: {  	[sflag:s17] =	ssyncset.done $0x0  }
0x1a: {  	s28 =	smov.u32 s4;
	s26 =	smov.u32 s15;
	[sflag:s17] =	ssyncadd.s32 $0xFFFFD900  }
0x1b: {  	_ = 	snop  }
.LBB2_3:
.Ltmp3:
0x1c: {  	s26 =	sor.u32 $0x1C03, s14;
	(pc) =	sbr.rel @p2 .LBB2_5-.Ltmp3, $4  }
0x1d: {  	[spmem:s16], [sflag:s26] =	dma.local [hbm:s6], $0x2700  }
0x1e: {  	_ =	swait.ge [sflag:s17], $0x2700  }
0x1f: {  	[sflag:s17] =	ssyncset.done $0x0  }
0x20: {  	s28 =	smov.u32 s5;
	[sflag:s17] =	ssyncadd.s32 $0xFFFFD900  }
.LBB2_4:
0x21: {  	s28 =	sadd.s32 $0x27000, s28  }
0x22: {  	[spmem:s18], [sflag:s26] =	dma.local [hbm:s28], $0x100  }
0x23: {  	_ =	swait.ge [sflag:s17], $0x100  }
0x24: {  	[sflag:s17] =	ssyncset.done $0x0  }
0x25: {  	[sflag:s17] =	ssyncadd.s32 $0xFFFFFF00  }
.LBB2_5:
0x26: {  	s26 =	simm.s32 $0x0  }
0x27: {  	[tilespmem:s26], [sflag:$0x3] =	stream.linear.gather [hbm4b:s9+s26], $0x2710, $0x38;
	[tilespmem:$0x1D6A0] =	vst v63  }
0x28: {  	_ =	swait.ge [sflag:s17], $0x2710  }
0x29: {  	[sflag:s17] =	ssyncset.done $0x0  }
0x2a: {  	[sflag:s17] =	ssyncadd.s32 $0xFFFFD8F0  }
0x2b: {  	[tilespmem:s19], [sflag:$0x3] =	stream.linear.gather [hbm4b:s10+s26], $0x2710, $0x38;
	[tilespmem:$0x1D6A0] =	vst v63  }
0x2c: {  	_ =	swait.ge [sflag:s17], $0x2710  }
0x2d: {  	[sflag:s17] =	ssyncset.done $0x0  }
0x2e: {  	[sflag:s17] =	ssyncadd.s32 $0xFFFFD8F0  }
0x2f: {  	[bflag:$0x0] =	sbarrier.arrive $0xFFFF  }
0x30: {  	[tilespmem:s21], [sflag:$0x1] =	stream.indirect.gather [hbm4b:s4+s20], $0x80, s26, s20, $0xb8;
	[tilespmem:$0x1D6A0] =	vst v63  }
0x31: {  	s31 =	simm.s32 $0x50  }
0x32: {  	[tilespmem:s22], [sflag:$0x2] =	stream.indirect.gather [hbm4b:s4+s20], $0x80, s31, s20, $0xb8;
	[tilespmem:$0x1D6A0] =	vst v63  }
0x33: {  	_ =	swait.ge [sflag:s23], $0x2800  }
0x34: {  	[sflag:s23] =	ssyncset.done $0x0  }
0x35: {  	s29 =	simm.s32 $0x2710;
	[sflag:s23] =	ssyncadd.s32 $0xFFFFD800  }
0x36: {  	[spmem:s2] =	stream.indirect.scatter.add.f32 [tilespmem:s21], [sflag:$0x3], $0x80, s29, s20, $0xb8;
	[tilespmem:$0x1D6A0] =	vst v63  }
0x37: {  	_ =	swait.ge [sflag:s17], $0x2800  }
0x38: {  	[sflag:s17] =	ssyncset.done $0x0  }
0x39: {  	s30 =	simm.s32 $0xA0;
	[sflag:s17] =	ssyncadd.s32 $0xFFFFD800  }
0x3a: {  	[tilespmem:s21], [sflag:$0x1] =	stream.indirect.gather [hbm4b:s4+s20], $0x80, s30, s20, $0xb8;
	[tilespmem:$0x1D6A0] =	vst v63  }
0x3b: {  	_ =	swait.ge [sflag:s24], $0x2800  }
0x3c: {  	[sflag:s24] =	ssyncset.done $0x0  }
0x3d: {  	s31 =	simm.s32 $0x2760;
	[sflag:s24] =	ssyncadd.s32 $0xFFFFD800  }
0x3e: {  	[spmem:s2] =	stream.indirect.scatter.add.f32 [tilespmem:s22], [sflag:$0x3], $0x80, s31, s20, $0xb8;
	[tilespmem:$0x1D6A0] =	vst v63  }
0x3f: {  	_ =	swait.ge [sflag:s17], $0x2800  }
0x40: {  	s28 =	simm.s32 $0x500;
	s26 =	simm.s32 $0xA0;
	[sflag:s17] =	ssyncset.done $0x0  }
.LBB2_6:
0x41: {  	s29 =	sadd.s32 $0x50, s26  }
0x42: {  	[sflag:s17] =	ssyncadd.s32 $0xFFFFD800;
	s30 =	smov.u32 s28;
	s31 =	sadd.s32 $0x280, s28  }
0x43: {  	[tilespmem:s22], [sflag:$0x2] =	stream.indirect.gather [hbm4b:s4+s20], $0x80, s29, s20, $0xb8;
	[tilespmem:$0x1D6A0] =	vst v63  }
0x44: {  	p3 =	sne.s32 s28, $0x9880;
	_ =	swait.ge [sflag:s23], $0x2800  }
0x45: {  	[sflag:s23] =	ssyncset.done $0x0  }
0x46: {  	s28 =	sadd.s32 $0x2710, s26;
	[sflag:s23] =	ssyncadd.s32 $0xFFFFD800  }
0x47: {  	[spmem:s2] =	stream.indirect.scatter.add.f32 [tilespmem:s21], [sflag:$0x3], $0x80, s28, s20, $0xb8;
	[tilespmem:$0x1D6A0] =	vst v63  }
0x48: {  	_ =	swait.ge [sflag:s17], $0x2800  }
0x49: {  	[sflag:s17] =	ssyncset.done $0x0  }
0x4a: {  	s28 =	sadd.s32 $0xA0, s26;
	[sflag:s17] =	ssyncadd.s32 $0xFFFFD800  }
0x4b: {  	[tilespmem:s21], [sflag:$0x1] =	stream.indirect.gather [hbm4b:s4+s20], $0x80, s28, s20, $0xb8;
	[tilespmem:$0x1D6A0] =	vst v63  }
0x4c: {  	_ =	swait.ge [sflag:s24], $0x2800  }
.Ltmp4:
0x4d: {  	[sflag:s24] =	ssyncset.done $0x0;
	(pc) =	sbr.rel @p3 .LBB2_6-.Ltmp4, $4  }
0x4e: {  	s26 =	sadd.s32 $0x2760, s26;
	[sflag:s24] =	ssyncadd.s32 $0xFFFFD800  }
0x4f: {  	[spmem:s2] =	stream.indirect.scatter.add.f32 [tilespmem:s22], [sflag:$0x3], $0x80, s26, s20, $0xb8;
	[tilespmem:$0x1D6A0] =	vst v63  }
0x50: {  	_ =	swait.ge [sflag:s17], $0x2800  }
0x51: {  	s28 =	smov.u32 s31;
	s26 =	sshra.s32 s30, $0x2;
	[sflag:s17] =	ssyncset.done $0x0  }
0x52: {  	s28 =	sadd.s32 $0x50, s26;
	[sflag:s17] =	ssyncadd.s32 $0xFFFFD800  }
0x53: {  	[tilespmem:s22], [sflag:$0x2] =	stream.indirect.gather [hbm4b:s4+s20], $0x80, s28, s20, $0xb8;
	[tilespmem:$0x1D6A0] =	vst v63  }
0x54: {  	_ =	swait.ge [sflag:s23], $0x2800  }
0x55: {  	[sflag:s23] =	ssyncset.done $0x0  }
0x56: {  	s29 =	sadd.s32 $0x2710, s26;
	[sflag:s23] =	ssyncadd.s32 $0xFFFFD800  }
0x57: {  	[spmem:s2] =	stream.indirect.scatter.add.f32 [tilespmem:s21], [sflag:$0x3], $0x80, s29, s20, $0xb8;
	[tilespmem:$0x1D6A0] =	vst v63  }
0x58: {  	_ =	swait.ge [sflag:s17], $0x2800  }
0x59: {  	[sflag:s17] =	ssyncset.done $0x0  }
0x5a: {  	s30 =	sadd.s32 $0xA0, s26;
	[sflag:s17] =	ssyncadd.s32 $0xFFFFD800  }
0x5b: {  	[tilespmem:s21], [sflag:$0x1] =	stream.indirect.gather [hbm4b:s4+s20], $0x80, s30, s20, $0xb8;
	[tilespmem:$0x1D6A0] =	vst v63  }
0x5c: {  	_ =	swait.ge [sflag:s24], $0x2800  }
0x5d: {  	[sflag:s24] =	ssyncset.done $0x0  }
0x5e: {  	s31 =	sadd.s32 $0x2760, s26;
	[sflag:s24] =	ssyncadd.s32 $0xFFFFD800  }
0x5f: {  	[spmem:s2] =	stream.indirect.scatter.add.f32 [tilespmem:s22], [sflag:$0x3], $0x80, s31, s20, $0xb8;
	[tilespmem:$0x1D6A0] =	vst v63  }
0x60: {  	_ =	swait.ge [sflag:s17], $0x2800  }
0x61: {  	[sflag:s17] =	ssyncset.done $0x0  }
0x62: {  	[sflag:s17] =	ssyncadd.s32 $0xFFFFD800  }
0x63: {  	_ =	swait.ge [sflag:s23], $0x2800  }
0x64: {  	[sflag:s23] =	ssyncset.done $0x0  }
0x65: {  	[sflag:s23] =	ssyncadd.s32 $0xFFFFD800  }
0x66: {  	[spmem:s2] =	stream.indirect.scatter.add.f32 [tilespmem:s21], [sflag:$0x3], $0x80, s25, s20, $0xb8;
	[tilespmem:$0x1D6A0] =	vst v63  }
0x67: {  	_ =	swait.ge [sflag:s17], $0x2800  }
0x68: {  	[sflag:s17] =	ssyncset.done $0x0  }
0x69: {  	[sflag:s17] =	ssyncadd.s32 $0xFFFFD800  }
0x6a: {  	s26 =	sor.u32 $0x1C03, s14;
	[bflag:$0x0] =	sbarrier.arrive $0xFFFF  }
0x6b: {  	[hbm:s11], [sflag:s26] =	dma.local [spmem:s16], $0x2700  }
0x6c: {  	_ =	swait.ge [sflag:s17], $0x2700  }
0x6d: {  	s3 =	sadd.s32 $0x1, s3;
	[sflag:s17] =	ssyncset.done $0x0  }
0x6e: {  	s28 =	sshrl.u32 @!p2 s7, $0x3;
	p3 =	sne.s32 s3, s13;
	[sflag:s17] =	ssyncadd.s32 $0xFFFFD900  }
0x6f: {  	[hbm:s12], [sflag:s26] =	dma.local @!p2 [spmem:s28], $0x100  }
.Ltmp5:
0x70: {  	_ = 	snop;
	(pc) =	sbr.rel @p3 .LBB2_1-.Ltmp5, $4  }
0x71: {  	s26 =	simm.s32 @!p2 $0x3  }
0x72: {  	_ =	swait.ge @!p2 [sflag:s26], $0x100  }
0x73: {  	[sflag:s26] =	ssyncset.done @!p2 $0x0  }
0x74: {  	[sflag:s26] =	ssyncadd.s32 @!p2 $0xFFFFFF00  }
0x75: {  	_ =	sfence.sel $0x180000  }
0x76: {  	[bflag:$0x0] =	sbarrier.arrive $0xFFFF  }
0x77: {  	p0 =	sne.s32 s1, $0x0;
	_ =	strace $0x9000004A  }
0x78: {  	s0 =	sadd.s32 @!p0 $0x100000, s0;
	[bflag:$0x2] =	sbarrier.arrive $0xFFFF  }
0x79: {  	[sflag:s0] =	ssyncadd.tile.s32 @!p0 $0x1;
	_ =	shalt  }
.Lfunc_end2:
_tile_overlayer_lowered:
.L_overlay_start_2:
0x7a: {  	(tag) =	ssettag $0x2  }
0x7b: {  	s0 =	rddreg [dreg:$0x0];
	s2 =	stileid.u32  }
0x7c: {  	s1 =	rddreg [dreg:$0x1];
	p0 =	sne.s32 s2, $0x0  }
0x7d: {  	s3 =	rddreg [dreg:$0x2];
	[bflag:$0x3] =	sbarrier.arrive $0xFFFF;
	s2 =	simm.s32 @!p0 $0x1C03  }
0x7e: {  	[timem:s3], [sflag:s2] =	dma.local @!p0 [hbm:s0], s1  }
0x7f: {  	s0 =	simm.s32 @!p0 $0x3  }
0x80: {  	_ =	swait.ge @!p0 [sflag:s0], s1  }
0x81: {  	s1 =	ssub.s32 @!p0 $0x0, s1;
	[sflag:s0] =	ssyncset.done @!p0 $0x0  }
0x82: {  	[sflag:s0] =	ssyncadd.s32 @!p0 s1  }
0x83: {  	[bflag:$0x3] =	sbarrier.arrive $0xFFFF  }
0x84: {  	_ =	shalt  }

// kernel: kernel.14.cloned.1.call-start
scs
__scs_entry_jumppad:
0x0: {  	(pc) =	sbr.rel $0x88, $3  }
0x1: {  	(tag) =	ssettag $0x0;
	lr =	simm.s32 $0x1  }
0x2: {  	[smem:$0x3F99] =	sst lr;
	_ =	strace $0xD0000000  }
0x3: {  	_ = 	snop  }
0x4: {  	_ = 	snop  }
0x5: {  	_ = 	snop  }
0x6: {  	_ = 	snop  }
0x7: {  	_ = 	snop  }
__scs_overlays_trampoline_lowered:
0x8: {  	[smem:$0x3FA8] =	sst s0  }
0x9: {  	[smem:$0x3FA9] =	sst s1  }
0xa: {  	[smem:$0x3FAA] =	sst s2  }
0xb: {  	[smem:$0x3FAB] =	sst s3  }
0xc: {  	[smem:$0x3FAC] =	sst s4  }
0xd: {  	[smem:$0x3FAD] =	sst s5  }
0xe: {  	[smem:$0x3FAE] =	sst s6  }
0xf: {  	[smem:$0x3FAF] =	sst s7  }
0x10: {  	[smem:$0x3FB0] =	sst s8  }
0x11: {  	[smem:$0x3FB1] =	sst s9;
	s0 =	simm.s32 @!p0 $0x0  }
0x12: {  	s1 =	sld [smem:$0x3F97];
	s0 =	simm.s32 @p0 $0x1  }
0x13: {  	[smem:$0x3FB2] =	sst s0;
	s0 =	simm.s32 @!p1 $0x0  }
0x14: {  	s2 =	sld [smem:$0x3F96];
	s0 =	simm.s32 @p1 $0x1  }
0x15: {  	[smem:$0x3FB3] =	sst s0;
	s0 =	simm.s32 @!p2 $0x0  }
0x16: {  	s3 =	sld [smem:$0x3FDB];
	s0 =	simm.s32 @p2 $0x1  }
0x17: {  	s4 =	simm.s32 $0x1BF5;
	[smem:$0x3FB5] =	sst s0  }
0x18: {  	s0 =	sld [smem:$0x3F98];
	_ =	swait.ge [sflag:s4], $0x0  }
0x19: {  	s7 =	sld [smem:$0x3F99]  }
0x1a: {  	s8 =	sadd.s32 $0xFFFFE003, lr  }
0x1b: {  	s9 =	sadd.s32 $0xFFFFFEF7, lr;
	s5 =	simm.s32 $0xFFFFFFFF;
	p2 =	slt.u32 s8, $0xFFFFF086  }
0x1c: {  	p1 =	slt.u32 s9, $0xF7A;
	s5 =	simm.s32 @!p2 $0x0  }
0x1d: {  	s5 =	simm.s32 @p1 $0x1;
	p0 =	seq.s32 s7, s2  }
0x1e: {  	s7 =	smul.u32 @!p0 $0xF7A, s2;
	p2 =	seq.s32 @!p0 s5, $0x0  }
0x1f: {  	s9 =	smul.u32 $0xF7A, s1;
	s8 =	simm.s32 @!p0 $0x1BF5;
	p2 =	por !p2, p0  }
0x20: {  	[sflag:s8] =	ssyncset.s32 @!p0 $0xFFFFF086;
	s6 =	sadd.s32 @!p0 s3, s7;
	s7 =	simm.s32 @!p0 $0x108  }
0x21: {  	s3 =	sadd.s32 s3, s9;
	s6 =	sadd.s32 @!p0 $0x88, s6;
	s7 =	simm.s32 @p2 $0x1082  }
0x22: {  	[simem:s7], [sflag:s8] =	dma.local @!p0 [hbm:s6], $0xF7A  }
0x23: {  	s9 =	sor.u32 $0xD0000000, s2;
	s6 =	simm.s32 $0x108;
	_ =	swait.ge @!p0 [sflag:s8], $0x0  }
0x24: {  	s3 =	sadd.s32 $0x88, s3;
	s6 =	simm.s32 @!p1 $0x1082;
	[sflag:s4] =	ssyncset.s32 $0xFFFFF086  }
0x25: {  	[simem:s6], [sflag:s4] =	dma.local [hbm:s3], $0xF7A  }
0x26: {  	[smem:$0x3F99] =	sst s1;
	(tag) =	ssettag s2;
	_ =	strace s9  }
0x27: {  	s1 =	sld [smem:$0x3FA9]  }
0x28: {  	s2 =	sld [smem:$0x3FAA]  }
0x29: {  	s4 =	sld [smem:$0x3FAC]  }
0x2a: {  	p0 =	seq.s32 s5, $0x0;
	s5 =	sld [smem:$0x3FAD]  }
0x2b: {  	s6 =	sld [smem:$0x3FAE]  }
0x2c: {  	s7 =	sld [smem:$0x3FAF]  }
0x2d: {  	s3 =	simm.s32 $0x108;
	s8 =	sld [smem:$0x3FB0]  }
0x2e: {  	s3 =	simm.s32 @!p0 $0x1082;
	s9 =	sld [smem:$0x3FB1]  }
0x2f: {  	lr =	sadd.s32 s0, s3;
	s0 =	sld [smem:$0x3FA8]  }
0x30: {  	s3 =	sld [smem:$0x3FAB]  }
0x31: {  	[smem:$0x3FB4] =	sst s10  }
0x32: {  	s10 =	sld [smem:$0x3FB2];
	_ =	sdelay $0x3  }
0x33: {  	p0 =	seq.s32 s10, $0x1;
	s10 =	sld [smem:$0x3FB4];
	_ =	sdelay $0x3  }
0x34: {  	[smem:$0x3FB4] =	sst s10  }
0x35: {  	s10 =	sld [smem:$0x3FB3];
	_ =	sdelay $0x3  }
0x36: {  	p1 =	seq.s32 s10, $0x1;
	s10 =	sld [smem:$0x3FB4];
	_ =	sdelay $0x3  }
0x37: {  	[smem:$0x3FB4] =	sst s10  }
0x38: {  	s10 =	sld [smem:$0x3FB5]  }
0x39: {  	_ = 	snop;
	(pc) =	sbr.ind lr, $3  }
0x3a: {  	_ = 	snop  }
0x3b: {  	_ = 	snop  }
0x3c: {  	p2 =	seq.s32 s10, $0x1;
	s10 =	sld [smem:$0x3FB4]  }
0x3d: {  	_ =	shalt  }
0x3e: {  	_ =	shalt  }
0x3f: {  	_ =	shalt  }
0x40: {  	_ =	shalt  }
0x41: {  	_ =	shalt  }
0x42: {  	_ =	shalt  }
0x43: {  	_ =	shalt  }
0x44: {  	_ =	shalt  }
0x45: {  	_ =	shalt  }
0x46: {  	_ =	shalt  }
0x47: {  	_ =	shalt  }
0x48: {  	_ =	shalt  }
0x49: {  	_ =	shalt  }
0x4a: {  	_ =	shalt  }
0x4b: {  	_ =	shalt  }
0x4c: {  	_ =	shalt  }
0x4d: {  	_ =	shalt  }
0x4e: {  	_ =	shalt  }
0x4f: {  	_ =	shalt  }
0x50: {  	_ =	shalt  }
0x51: {  	_ =	shalt  }
0x52: {  	_ =	shalt  }
0x53: {  	_ =	shalt  }
0x54: {  	_ =	shalt  }
0x55: {  	_ =	shalt  }
0x56: {  	_ =	shalt  }
0x57: {  	_ =	shalt  }
0x58: {  	_ =	shalt  }
0x59: {  	_ =	shalt  }
0x5a: {  	_ =	shalt  }
0x5b: {  	_ =	shalt  }
0x5c: {  	_ =	shalt  }
0x5d: {  	_ =	shalt  }
0x5e: {  	_ =	shalt  }
0x5f: {  	_ =	shalt  }
0x60: {  	_ =	shalt  }
0x61: {  	_ =	shalt  }
0x62: {  	_ =	shalt  }
0x63: {  	_ =	shalt  }
0x64: {  	_ =	shalt  }
0x65: {  	_ =	shalt  }
0x66: {  	_ =	shalt  }
0x67: {  	_ =	shalt  }
0x68: {  	_ =	shalt  }
0x69: {  	_ =	shalt  }
0x6a: {  	_ =	shalt  }
0x6b: {  	_ =	shalt  }
0x6c: {  	_ =	shalt  }
0x6d: {  	_ =	shalt  }
0x6e: {  	_ =	shalt  }
0x6f: {  	_ =	shalt  }
0x70: {  	_ =	shalt  }
0x71: {  	_ =	shalt  }
0x72: {  	_ =	shalt  }
0x73: {  	_ =	shalt  }
0x74: {  	_ =	shalt  }
0x75: {  	_ =	shalt  }
0x76: {  	_ =	shalt  }
0x77: {  	_ =	shalt  }
0x78: {  	_ =	shalt  }
0x79: {  	_ =	shalt  }
0x7a: {  	_ =	shalt  }
0x7b: {  	_ =	shalt  }
0x7c: {  	_ =	shalt  }
0x7d: {  	_ =	shalt  }
0x7e: {  	_ =	shalt  }
0x7f: {  	_ =	shalt  }
0x80: {  	_ =	shalt  }
0x81: {  	_ =	shalt  }
0x82: {  	_ =	shalt  }
0x83: {  	_ =	shalt  }
0x84: {  	_ =	shalt  }
0x85: {  	_ =	shalt  }
0x86: {  	_ =	shalt  }
0x87: {  	_ =	shalt  }
.Lfunc_end0:
.L_simem_size_0:
called_computation.2_lowered:
.L_overlay_start_0:
0x88: {  	s2 =	sld [smem:$0x3FD9]  }
0x89: {  	s3 =	sld [smem:$0x3FFE];
	_ =	sdelay $0x1  }
0x8a: {  	s1 =	srdreg.scid  }
0x8b: {  	s0 =	sand.u32 $0x1, s1  }
0x8c: {  	s14 =	sshll.u32 s0, $0xA;
	s2 =	sadd.s32 s3, s2  }
0x8d: {  	s2 =	sadd.s32 s2, s14  }
0x8e: {  	[smem:$0x3FC0] =	sst s2  }
0x8f: {  	_ = 	snop  }
0x90: {  	s2 =	sld [smem:$0x3FD0];
	_ =	sdelay $0x2  }
0x91: {  	s15 =	simm.s32 $0xA;
	s4 =	simm.s32 $0x10  }
0x92: {  	[smem:s4], [sflag:s15] =	dma.local [hbm:s2], $0x1  }
0x93: {  	_ =	swait.eq [sflag:s15], $0x1  }
0x94: {  	[sflag:s15] =	ssyncset.done $0x0  }
0x95: {  	[sflag:s15] =	ssyncadd.s32 $0xFFFFFFFF  }
0x96: {  	s16 =	sld [smem:$0x10];
	(tm) =	ssettm $0x1  }
0x97: {  	s17 =	sld [smem:$0x3FFB];
	_ =	sdelay $0x3  }
0x98: {  	_ =	strace s17  }
0x99: {  	s3 =	sld [smem:$0x3FFC];
	_ =	sdelay $0x3  }
0x9a: {  	_ =	strace s3  }
0x9b: {  	s3 =	sld [smem:$0x3FFD];
	_ =	sdelay $0x3  }
0x9c: {  	_ =	strace s3  }
0x9d: {  	_ =	strace $0x8FFFFFFF  }
0x9e: {  	s18 =	sld [smem:$0x3FDB];
	_ =	sdelay $0x1  }
0x9f: {  	s19 =	simm.s32 $_scs_section_size  }
0xa0: {  	s5 =	simm.s32 $_size__tile_overlayer_lowered;
	s6 =	simm.s32 $_tile_overlayer_lowered  }
0xa1: {  	s22 =	simm.s32 $0x1BFF;
	s21 =	sshll.u32 s6, $0x1;
	s3 =	sadd.s32 s19, s18  }
0xa2: {  	s7 =	simm.s32 $0x0;
	s20 =	sshll.u32 s5, $0x1;
	s5 =	sadd.s32 s21, s3  }
0xa3: {  	[timem:s7], [sflag:s22] =	dma.local [hbm:s5], s20  }
0xa4: {  	_ =	swait.ge [sflag:s22], s20  }
0xa5: {  	s4 =	ssub.s32 $0x0, s20;
	[sflag:s22] =	ssyncset.done $0x0  }
0xa6: {  	[sflag:s22] =	ssyncadd.s32 s4;
	_ =	sdelay $0x1  }
0xa7: {  	s23 =	simm.s32 $0x1B8B  }
0xa8: {  	_ =	swait.ge [sflag:s23], $0x1  }
0xa9: {  	[sflag:s23] =	ssyncset.done $0x0  }
0xaa: {  	s25 =	simm.s32 $0x1B8E;
	s24 =	sld [smem:$0x3FFE];
	[sflag:s23] =	ssyncadd.s32 $0xFFFFFFFF  }
0xab: {  	s26 =	simm.s32 $execute0_lowered;
	[smem:$0x3FD2] =	sst s25  }
0xac: {  	s5 =	sshll.u32 s26, $0x1;
	_ =	strace $0x8000004C;
	[dreg:$0x1] =	wrdreg $0xFFFFFFFF  }
0xad: {  	s28 =	simm.s32 $_size_execute0_lowered;
	s3 =	sadd.s32 s3, s5;
	[dreg:$0x0] =	wrdreg $0x0  }
0xae: {  	s5 =	sshll.u32 s28, $0x1;
	[dreg:$0x2] =	wrdreg s3  }
0xaf: {  	[dreg:$0x3] =	wrdreg s5  }
0xb0: {  	[dreg:$0x4] =	wrdreg $0xC0  }
0xb1: {  	_ =	task [dreg:s7], $0x5FFFF  }
0xb2: {  	[dreg:$0x1] =	wrdreg $0xFFFFFFFF  }
0xb3: {  	[dreg:$0x0] =	wrdreg $0x60  }
0xb4: {  	[dreg:$0x2] =	wrdreg s24  }
0xb5: {  	[dreg:$0x3] =	wrdreg s16  }
0xb6: {  	[dreg:$0x4] =	wrdreg $0x9E200  }
0xb7: {  	[dreg:$0x5] =	wrdreg $0x9  }
0xb8: {  	_ =	task.clear_ibuf [dreg:s7], $0x6FFFF;
	_ =	strace $0x9000004C  }
0xb9: {  	s29 =	simm.s32 $0x9;
	_ =	strace $0x8000004E  }
0xba: {  	_ =	swait.ge [sflag:s29], $0x1  }
0xbb: {  	[sflag:s29] =	ssyncadd.s32 $0xFFFFFFFF  }
0xbc: {  	_ =	strace $0x9000004E  }
0xbd: {  	_ =	sfence  }
0xbe: {  	s30 =	sld [smem:$0x0];
	_ =	sdelay $0x2  }
0xbf: {  	s31 =	sshll.u32 s1, $0xD;
	s1 =	sshrl.u32 s1, $0x2  }
0xc0: {  	s3 =	sand.u32 $0x4000, s31;
	s1 =	sadd.s32 s1, s30  }
0xc1: {  	s0 =	sor.u32 s3, s0;
	s1 =	sshll.u32 s1, $0x11  }
0xc2: {  	s0 =	sor.u32 s1, s0  }
0xc3: {  	s0 =	sadd.s32 $0x8F2B, s0  }
0xc4: {  	[sflag:s0] =	ssyncadd.remote.s32 $0x1  }
0xc5: {  	_ =	sfence.sel $0xFFFF  }
0xc6: {  	[dreg:$0x0] =	wrdreg $0xFFFFFFFF;
	(pc) =	sbr.abs _section_cstart, $3  }
0xc7: {  	[dreg:$0x1] =	wrdreg $0xFFFFFFFF  }
0xc8: {  	_ =	task.clear_ibuf [dreg:s7], $0x2FFFF;
	_ =	strace $0x9FFFFFFF  }
0xc9: {  	(tm) =	ssettm $0x7FFFFFFF  }
tec
execute0_lowered:
.L_overlay_start_1:
0x0: {  	(tag) =	ssettag $0x1  }
0x1: {  	s6 =	rddreg [dreg:$0x0]  }
0x2: {  	s0 =	srdreg.scid;
	s9 =	rddreg [dreg:$0x1]  }
0x3: {  	s2 =	rddreg [dreg:$0x2];
	s1 =	stileid.u32;
	s3 =	simm.s32 $0x0  }
0x4: {  	s19 =	simm.s32 $0x2710;
	s20 =	simm.s32 $0x50;
	s21 =	simm.s32 $0x4E20  }
0x5: {  	s22 =	simm.s32 $0x7620;
	s23 =	simm.s32 $0x1;
	s24 =	simm.s32 $0x2  }
0x6: {  	s25 =	simm.s32 $0x4DD0;
	s14 =	sand.u32 $0x1, s0;
	s0 =	rddreg [dreg:$0x3]  }
0x7: {  	[smem:$0x7FF] =	sst s3;
	s12 =	smul.u32 $0x13800, s1;
	s5 =	sadd.s32 $0x33200, s6  }
0x8: {  	s13 =	sadd.s32 $0x5A400, s6;
	p1 =	seq.s32 s1, $0xF;
	p2 =	sne.s32 s1, $0xF  }
0x9: {  	s4 =	sshll.u32 s14, $0x4;
	_ =	strace $0x8000004D;
	s7 =	ssub.s32 $0x2, s14  }
0xa: {  	s17 =	smul.u32 $0x138800, s14;
	p0 =	sne.s32 s14, $0x0;
	s14 =	sshll.u32 s1, $0x6  }
0xb: {  	s4 =	sor.u32 s1, s4;
	s8 =	sshrl.u32 s7, $0x1;
	s16 =	sadd.s32 s12, s2  }
0xc: {  	s29 =	sshrl.u32 s12, $0x3;
	s10 =	smul.u32 $0x4E2, s4;
	s4 =	sadd.s32 $0xC000, s6  }
0xd: {  	s15 =	ssub.s32 s7, s8;
	s7 =	sadd.s32 $0x138000, s2;
	s12 =	sadd.s32 s12, s17  }
0xe: {  	s17 =	sshrl.u32 s17, $0x3;
	s16 =	sshrl.u32 s16, $0x3;
	s8 =	sadd.s32 s4, s29  }
0xf: {  	s30 =	sshrl.u32 s12, $0x3;
	s31 =	sadd.s32 s13, s17;
	s17 =	simm.s32 $0x3  }
0x10: {  	s18 =	sshrl.u32 s7, $0x3;
	s11 =	sadd.s32 s10, s6;
	s6 =	sadd.s32 s5, s29  }
0x11: {  	s9 =	sadd.s32 s9, s10;
	s12 =	sadd.s32 $0x27000, s31;
	s10 =	sadd.s32 $0x2200, s11  }
0x12: {  	s11 =	sadd.s32 s13, s30;
	s13 =	smax.u32 s15, $0x1;
	s15 =	sor.u32 $0x1C03, s14  }
.LBB2_1:
.Ltmp0:
0x13: {  	(pc) =	sbr.rel @p0 .LBB2_3-.Ltmp0, $1  }
0x14: {  	_ =	sdelay $0x3  }
0x15: {  	[spmem:s16], [sflag:s15] =	dma.local [hbm:s8], $0x2700  }
.Ltmp1:
0x16: {  	_ = 	snop;
	(pc) =	sbr.rel @p1 .LBB2_4-.Ltmp1, $4  }
.Ltmp2:
0x17: {  	_ = 	snop;
	(pc) =	sbr.rel @!p1 .LBB2_5-.Ltmp2, $4  }
0x18: {  	_ =	swait.ge [sflag:s17], $0x2700  }
0x19: {  	[sflag:s17] =	ssyncset.done $0x0  }
0x1a: {  	s28 =	smov.u32 s4;
	s26 =	smov.u32 s15;
	[sflag:s17] =	ssyncadd.s32 $0xFFFFD900  }
0x1b: {  	_ = 	snop  }
.LBB2_3:
.Ltmp3:
0x1c: {  	s26 =	sor.u32 $0x1C03, s14;
	(pc) =	sbr.rel @p2 .LBB2_5-.Ltmp3, $4  }
0x1d: {  	[spmem:s16], [sflag:s26] =	dma.local [hbm:s6], $0x2700  }
0x1e: {  	_ =	swait.ge [sflag:s17], $0x2700  }
0x1f: {  	[sflag:s17] =	ssyncset.done $0x0  }
0x20: {  	s28 =	smov.u32 s5;
	[sflag:s17] =	ssyncadd.s32 $0xFFFFD900  }
.LBB2_4:
0x21: {  	s28 =	sadd.s32 $0x27000, s28  }
0x22: {  	[spmem:s18], [sflag:s26] =	dma.local [hbm:s28], $0x100  }
0x23: {  	_ =	swait.ge [sflag:s17], $0x100  }
0x24: {  	[sflag:s17] =	ssyncset.done $0x0  }
0x25: {  	[sflag:s17] =	ssyncadd.s32 $0xFFFFFF00  }
.LBB2_5:
0x26: {  	s26 =	simm.s32 $0x0  }
0x27: {  	[tilespmem:s26], [sflag:$0x3] =	stream.linear.gather [hbm4b:s9+s26], $0x2710, $0x38;
	[tilespmem:$0x1D6A0] =	vst v63  }
0x28: {  	_ =	swait.ge [sflag:s17], $0x2710  }
0x29: {  	[sflag:s17] =	ssyncset.done $0x0  }
0x2a: {  	[sflag:s17] =	ssyncadd.s32 $0xFFFFD8F0  }
0x2b: {  	[tilespmem:s19], [sflag:$0x3] =	stream.linear.gather [hbm4b:s10+s26], $0x2710, $0x38;
	[tilespmem:$0x1D6A0] =	vst v63  }
0x2c: {  	_ =	swait.ge [sflag:s17], $0x2710  }
0x2d: {  	[sflag:s17] =	ssyncset.done $0x0  }
0x2e: {  	[sflag:s17] =	ssyncadd.s32 $0xFFFFD8F0  }
0x2f: {  	[bflag:$0x0] =	sbarrier.arrive $0xFFFF  }
0x30: {  	[tilespmem:s21], [sflag:$0x1] =	stream.indirect.gather [hbm4b:s4+s20], $0x80, s26, s20, $0xb8;
	[tilespmem:$0x1D6A0] =	vst v63  }
0x31: {  	s31 =	simm.s32 $0x50  }
0x32: {  	[tilespmem:s22], [sflag:$0x2] =	stream.indirect.gather [hbm4b:s4+s20], $0x80, s31, s20, $0xb8;
	[tilespmem:$0x1D6A0] =	vst v63  }
0x33: {  	_ =	swait.ge [sflag:s23], $0x2800  }
0x34: {  	[sflag:s23] =	ssyncset.done $0x0  }
0x35: {  	s29 =	simm.s32 $0x2710;
	[sflag:s23] =	ssyncadd.s32 $0xFFFFD800  }
0x36: {  	[spmem:s2] =	stream.indirect.scatter.add.f32 [tilespmem:s21], [sflag:$0x3], $0x80, s29, s20, $0xb8;
	[tilespmem:$0x1D6A0] =	vst v63  }
0x37: {  	_ =	swait.ge [sflag:s17], $0x2800  }
0x38: {  	[sflag:s17] =	ssyncset.done $0x0  }
0x39: {  	s30 =	simm.s32 $0xA0;
	[sflag:s17] =	ssyncadd.s32 $0xFFFFD800  }
0x3a: {  	[tilespmem:s21], [sflag:$0x1] =	stream.indirect.gather [hbm4b:s4+s20], $0x80, s30, s20, $0xb8;
	[tilespmem:$0x1D6A0] =	vst v63  }
0x3b: {  	_ =	swait.ge [sflag:s24], $0x2800  }
0x3c: {  	[sflag:s24] =	ssyncset.done $0x0  }
0x3d: {  	s31 =	simm.s32 $0x2760;
	[sflag:s24] =	ssyncadd.s32 $0xFFFFD800  }
0x3e: {  	[spmem:s2] =	stream.indirect.scatter.add.f32 [tilespmem:s22], [sflag:$0x3], $0x80, s31, s20, $0xb8;
	[tilespmem:$0x1D6A0] =	vst v63  }
0x3f: {  	_ =	swait.ge [sflag:s17], $0x2800  }
0x40: {  	s28 =	simm.s32 $0x500;
	s26 =	simm.s32 $0xA0;
	[sflag:s17] =	ssyncset.done $0x0  }
.LBB2_6:
0x41: {  	s29 =	sadd.s32 $0x50, s26  }
0x42: {  	[sflag:s17] =	ssyncadd.s32 $0xFFFFD800;
	s30 =	smov.u32 s28;
	s31 =	sadd.s32 $0x280, s28  }
0x43: {  	[tilespmem:s22], [sflag:$0x2] =	stream.indirect.gather [hbm4b:s4+s20], $0x80, s29, s20, $0xb8;
	[tilespmem:$0x1D6A0] =	vst v63  }
0x44: {  	p3 =	sne.s32 s28, $0x9880;
	_ =	swait.ge [sflag:s23], $0x2800  }
0x45: {  	[sflag:s23] =	ssyncset.done $0x0  }
0x46: {  	s28 =	sadd.s32 $0x2710, s26;
	[sflag:s23] =	ssyncadd.s32 $0xFFFFD800  }
0x47: {  	[spmem:s2] =	stream.indirect.scatter.add.f32 [tilespmem:s21], [sflag:$0x3], $0x80, s28, s20, $0xb8;
	[tilespmem:$0x1D6A0] =	vst v63  }
0x48: {  	_ =	swait.ge [sflag:s17], $0x2800  }
0x49: {  	[sflag:s17] =	ssyncset.done $0x0  }
0x4a: {  	s28 =	sadd.s32 $0xA0, s26;
	[sflag:s17] =	ssyncadd.s32 $0xFFFFD800  }
0x4b: {  	[tilespmem:s21], [sflag:$0x1] =	stream.indirect.gather [hbm4b:s4+s20], $0x80, s28, s20, $0xb8;
	[tilespmem:$0x1D6A0] =	vst v63  }
0x4c: {  	_ =	swait.ge [sflag:s24], $0x2800  }
.Ltmp4:
0x4d: {  	[sflag:s24] =	ssyncset.done $0x0;
	(pc) =	sbr.rel @p3 .LBB2_6-.Ltmp4, $4  }
0x4e: {  	s26 =	sadd.s32 $0x2760, s26;
	[sflag:s24] =	ssyncadd.s32 $0xFFFFD800  }
0x4f: {  	[spmem:s2] =	stream.indirect.scatter.add.f32 [tilespmem:s22], [sflag:$0x3], $0x80, s26, s20, $0xb8;
	[tilespmem:$0x1D6A0] =	vst v63  }
0x50: {  	_ =	swait.ge [sflag:s17], $0x2800  }
0x51: {  	s28 =	smov.u32 s31;
	s26 =	sshra.s32 s30, $0x2;
	[sflag:s17] =	ssyncset.done $0x0  }
0x52: {  	s28 =	sadd.s32 $0x50, s26;
	[sflag:s17] =	ssyncadd.s32 $0xFFFFD800  }
0x53: {  	[tilespmem:s22], [sflag:$0x2] =	stream.indirect.gather [hbm4b:s4+s20], $0x80, s28, s20, $0xb8;
	[tilespmem:$0x1D6A0] =	vst v63  }
0x54: {  	_ =	swait.ge [sflag:s23], $0x2800  }
0x55: {  	[sflag:s23] =	ssyncset.done $0x0  }
0x56: {  	s29 =	sadd.s32 $0x2710, s26;
	[sflag:s23] =	ssyncadd.s32 $0xFFFFD800  }
0x57: {  	[spmem:s2] =	stream.indirect.scatter.add.f32 [tilespmem:s21], [sflag:$0x3], $0x80, s29, s20, $0xb8;
	[tilespmem:$0x1D6A0] =	vst v63  }
0x58: {  	_ =	swait.ge [sflag:s17], $0x2800  }
0x59: {  	[sflag:s17] =	ssyncset.done $0x0  }
0x5a: {  	s30 =	sadd.s32 $0xA0, s26;
	[sflag:s17] =	ssyncadd.s32 $0xFFFFD800  }
0x5b: {  	[tilespmem:s21], [sflag:$0x1] =	stream.indirect.gather [hbm4b:s4+s20], $0x80, s30, s20, $0xb8;
	[tilespmem:$0x1D6A0] =	vst v63  }
0x5c: {  	_ =	swait.ge [sflag:s24], $0x2800  }
0x5d: {  	[sflag:s24] =	ssyncset.done $0x0  }
0x5e: {  	s31 =	sadd.s32 $0x2760, s26;
	[sflag:s24] =	ssyncadd.s32 $0xFFFFD800  }
0x5f: {  	[spmem:s2] =	stream.indirect.scatter.add.f32 [tilespmem:s22], [sflag:$0x3], $0x80, s31, s20, $0xb8;
	[tilespmem:$0x1D6A0] =	vst v63  }
0x60: {  	_ =	swait.ge [sflag:s17], $0x2800  }
0x61: {  	[sflag:s17] =	ssyncset.done $0x0  }
0x62: {  	[sflag:s17] =	ssyncadd.s32 $0xFFFFD800  }
0x63: {  	_ =	swait.ge [sflag:s23], $0x2800  }
0x64: {  	[sflag:s23] =	ssyncset.done $0x0  }
0x65: {  	[sflag:s23] =	ssyncadd.s32 $0xFFFFD800  }
0x66: {  	[spmem:s2] =	stream.indirect.scatter.add.f32 [tilespmem:s21], [sflag:$0x3], $0x80, s25, s20, $0xb8;
	[tilespmem:$0x1D6A0] =	vst v63  }
0x67: {  	_ =	swait.ge [sflag:s17], $0x2800  }
0x68: {  	[sflag:s17] =	ssyncset.done $0x0  }
0x69: {  	[sflag:s17] =	ssyncadd.s32 $0xFFFFD800  }
0x6a: {  	s26 =	sor.u32 $0x1C03, s14;
	[bflag:$0x0] =	sbarrier.arrive $0xFFFF  }
0x6b: {  	[hbm:s11], [sflag:s26] =	dma.local [spmem:s16], $0x2700  }
0x6c: {  	_ =	swait.ge [sflag:s17], $0x2700  }
0x6d: {  	s3 =	sadd.s32 $0x1, s3;
	[sflag:s17] =	ssyncset.done $0x0  }
0x6e: {  	s28 =	sshrl.u32 @!p2 s7, $0x3;
	p3 =	sne.s32 s3, s13;
	[sflag:s17] =	ssyncadd.s32 $0xFFFFD900  }
0x6f: {  	[hbm:s12], [sflag:s26] =	dma.local @!p2 [spmem:s28], $0x100  }
.Ltmp5:
0x70: {  	_ = 	snop;
	(pc) =	sbr.rel @p3 .LBB2_1-.Ltmp5, $4  }
0x71: {  	s26 =	simm.s32 @!p2 $0x3  }
0x72: {  	_ =	swait.ge @!p2 [sflag:s26], $0x100  }
0x73: {  	[sflag:s26] =	ssyncset.done @!p2 $0x0  }
0x74: {  	[sflag:s26] =	ssyncadd.s32 @!p2 $0xFFFFFF00  }
0x75: {  	_ =	sfence.sel $0x180000  }
0x76: {  	[bflag:$0x0] =	sbarrier.arrive $0xFFFF  }
0x77: {  	p0 =	sne.s32 s1, $0x0;
	_ =	strace $0x9000004D  }
0x78: {  	s0 =	sadd.s32 @!p0 $0x100000, s0;
	[bflag:$0x2] =	sbarrier.arrive $0xFFFF  }
0x79: {  	[sflag:s0] =	ssyncadd.tile.s32 @!p0 $0x1;
	_ =	shalt  }
.Lfunc_end2:
_tile_overlayer_lowered:
.L_overlay_start_2:
0x7a: {  	(tag) =	ssettag $0x2  }
0x7b: {  	s0 =	rddreg [dreg:$0x0];
	s2 =	stileid.u32  }
0x7c: {  	s1 =	rddreg [dreg:$0x1];
	p0 =	sne.s32 s2, $0x0  }
0x7d: {  	s3 =	rddreg [dreg:$0x2];
	[bflag:$0x3] =	sbarrier.arrive $0xFFFF;
	s2 =	simm.s32 @!p0 $0x1C03  }
0x7e: {  	[timem:s3], [sflag:s2] =	dma.local @!p0 [hbm:s0], s1  }
0x7f: {  	s0 =	simm.s32 @!p0 $0x3  }
0x80: {  	_ =	swait.ge @!p0 [sflag:s0], s1  }
0x81: {  	s1 =	ssub.s32 @!p0 $0x0, s1;
	[sflag:s0] =	ssyncset.done @!p0 $0x0  }
0x82: {  	[sflag:s0] =	ssyncadd.s32 @!p0 s1  }
0x83: {  	[bflag:$0x3] =	sbarrier.arrive $0xFFFF  }
0x84: {  	_ =	shalt  }

// kernel: kernel.8.cloned.1.call-start
scs
__scs_entry_jumppad:
0x0: {  	(pc) =	sbr.rel $0x88, $3  }
0x1: {  	(tag) =	ssettag $0x0;
	lr =	simm.s32 $0x1  }
0x2: {  	[smem:$0x3F99] =	sst lr;
	_ =	strace $0xD0000000  }
0x3: {  	_ = 	snop  }
0x4: {  	_ = 	snop  }
0x5: {  	_ = 	snop  }
0x6: {  	_ = 	snop  }
0x7: {  	_ = 	snop  }
__scs_overlays_trampoline_lowered:
0x8: {  	[smem:$0x3FA8] =	sst s0  }
0x9: {  	[smem:$0x3FA9] =	sst s1  }
0xa: {  	[smem:$0x3FAA] =	sst s2  }
0xb: {  	[smem:$0x3FAB] =	sst s3  }
0xc: {  	[smem:$0x3FAC] =	sst s4  }
0xd: {  	[smem:$0x3FAD] =	sst s5  }
0xe: {  	[smem:$0x3FAE] =	sst s6  }
0xf: {  	[smem:$0x3FAF] =	sst s7  }
0x10: {  	[smem:$0x3FB0] =	sst s8  }
0x11: {  	[smem:$0x3FB1] =	sst s9;
	s0 =	simm.s32 @!p0 $0x0  }
0x12: {  	s1 =	sld [smem:$0x3F97];
	s0 =	simm.s32 @p0 $0x1  }
0x13: {  	[smem:$0x3FB2] =	sst s0;
	s0 =	simm.s32 @!p1 $0x0  }
0x14: {  	s2 =	sld [smem:$0x3F96];
	s0 =	simm.s32 @p1 $0x1  }
0x15: {  	[smem:$0x3FB3] =	sst s0;
	s0 =	simm.s32 @!p2 $0x0  }
0x16: {  	s3 =	sld [smem:$0x3FDB];
	s0 =	simm.s32 @p2 $0x1  }
0x17: {  	s4 =	simm.s32 $0x1BF5;
	[smem:$0x3FB5] =	sst s0  }
0x18: {  	s0 =	sld [smem:$0x3F98];
	_ =	swait.ge [sflag:s4], $0x0  }
0x19: {  	s7 =	sld [smem:$0x3F99]  }
0x1a: {  	s8 =	sadd.s32 $0xFFFFE003, lr  }
0x1b: {  	s9 =	sadd.s32 $0xFFFFFEF7, lr;
	s5 =	simm.s32 $0xFFFFFFFF;
	p2 =	slt.u32 s8, $0xFFFFF086  }
0x1c: {  	p1 =	slt.u32 s9, $0xF7A;
	s5 =	simm.s32 @!p2 $0x0  }
0x1d: {  	s5 =	simm.s32 @p1 $0x1;
	p0 =	seq.s32 s7, s2  }
0x1e: {  	s7 =	smul.u32 @!p0 $0xF7A, s2;
	p2 =	seq.s32 @!p0 s5, $0x0  }
0x1f: {  	s9 =	smul.u32 $0xF7A, s1;
	s8 =	simm.s32 @!p0 $0x1BF5;
	p2 =	por !p2, p0  }
0x20: {  	[sflag:s8] =	ssyncset.s32 @!p0 $0xFFFFF086;
	s6 =	sadd.s32 @!p0 s3, s7;
	s7 =	simm.s32 @!p0 $0x108  }
0x21: {  	s3 =	sadd.s32 s3, s9;
	s6 =	sadd.s32 @!p0 $0x88, s6;
	s7 =	simm.s32 @p2 $0x1082  }
0x22: {  	[simem:s7], [sflag:s8] =	dma.local @!p0 [hbm:s6], $0xF7A  }
0x23: {  	s9 =	sor.u32 $0xD0000000, s2;
	s6 =	simm.s32 $0x108;
	_ =	swait.ge @!p0 [sflag:s8], $0x0  }
0x24: {  	s3 =	sadd.s32 $0x88, s3;
	s6 =	simm.s32 @!p1 $0x1082;
	[sflag:s4] =	ssyncset.s32 $0xFFFFF086  }
0x25: {  	[simem:s6], [sflag:s4] =	dma.local [hbm:s3], $0xF7A  }
0x26: {  	[smem:$0x3F99] =	sst s1;
	(tag) =	ssettag s2;
	_ =	strace s9  }
0x27: {  	s1 =	sld [smem:$0x3FA9]  }
0x28: {  	s2 =	sld [smem:$0x3FAA]  }
0x29: {  	s4 =	sld [smem:$0x3FAC]  }
0x2a: {  	p0 =	seq.s32 s5, $0x0;
	s5 =	sld [smem:$0x3FAD]  }
0x2b: {  	s6 =	sld [smem:$0x3FAE]  }
0x2c: {  	s7 =	sld [smem:$0x3FAF]  }
0x2d: {  	s3 =	simm.s32 $0x108;
	s8 =	sld [smem:$0x3FB0]  }
0x2e: {  	s3 =	simm.s32 @!p0 $0x1082;
	s9 =	sld [smem:$0x3FB1]  }
0x2f: {  	lr =	sadd.s32 s0, s3;
	s0 =	sld [smem:$0x3FA8]  }
0x30: {  	s3 =	sld [smem:$0x3FAB]  }
0x31: {  	[smem:$0x3FB4] =	sst s10  }
0x32: {  	s10 =	sld [smem:$0x3FB2];
	_ =	sdelay $0x3  }
0x33: {  	p0 =	seq.s32 s10, $0x1;
	s10 =	sld [smem:$0x3FB4];
	_ =	sdelay $0x3  }
0x34: {  	[smem:$0x3FB4] =	sst s10  }
0x35: {  	s10 =	sld [smem:$0x3FB3];
	_ =	sdelay $0x3  }
0x36: {  	p1 =	seq.s32 s10, $0x1;
	s10 =	sld [smem:$0x3FB4];
	_ =	sdelay $0x3  }
0x37: {  	[smem:$0x3FB4] =	sst s10  }
0x38: {  	s10 =	sld [smem:$0x3FB5]  }
0x39: {  	_ = 	snop;
	(pc) =	sbr.ind lr, $3  }
0x3a: {  	_ = 	snop  }
0x3b: {  	_ = 	snop  }
0x3c: {  	p2 =	seq.s32 s10, $0x1;
	s10 =	sld [smem:$0x3FB4]  }
0x3d: {  	_ =	shalt  }
0x3e: {  	_ =	shalt  }
0x3f: {  	_ =	shalt  }
0x40: {  	_ =	shalt  }
0x41: {  	_ =	shalt  }
0x42: {  	_ =	shalt  }
0x43: {  	_ =	shalt  }
0x44: {  	_ =	shalt  }
0x45: {  	_ =	shalt  }
0x46: {  	_ =	shalt  }
0x47: {  	_ =	shalt  }
0x48: {  	_ =	shalt  }
0x49: {  	_ =	shalt  }
0x4a: {  	_ =	shalt  }
0x4b: {  	_ =	shalt  }
0x4c: {  	_ =	shalt  }
0x4d: {  	_ =	shalt  }
0x4e: {  	_ =	shalt  }
0x4f: {  	_ =	shalt  }
0x50: {  	_ =	shalt  }
0x51: {  	_ =	shalt  }
0x52: {  	_ =	shalt  }
0x53: {  	_ =	shalt  }
0x54: {  	_ =	shalt  }
0x55: {  	_ =	shalt  }
0x56: {  	_ =	shalt  }
0x57: {  	_ =	shalt  }
0x58: {  	_ =	shalt  }
0x59: {  	_ =	shalt  }
0x5a: {  	_ =	shalt  }
0x5b: {  	_ =	shalt  }
0x5c: {  	_ =	shalt  }
0x5d: {  	_ =	shalt  }
0x5e: {  	_ =	shalt  }
0x5f: {  	_ =	shalt  }
0x60: {  	_ =	shalt  }
0x61: {  	_ =	shalt  }
0x62: {  	_ =	shalt  }
0x63: {  	_ =	shalt  }
0x64: {  	_ =	shalt  }
0x65: {  	_ =	shalt  }
0x66: {  	_ =	shalt  }
0x67: {  	_ =	shalt  }
0x68: {  	_ =	shalt  }
0x69: {  	_ =	shalt  }
0x6a: {  	_ =	shalt  }
0x6b: {  	_ =	shalt  }
0x6c: {  	_ =	shalt  }
0x6d: {  	_ =	shalt  }
0x6e: {  	_ =	shalt  }
0x6f: {  	_ =	shalt  }
0x70: {  	_ =	shalt  }
0x71: {  	_ =	shalt  }
0x72: {  	_ =	shalt  }
0x73: {  	_ =	shalt  }
0x74: {  	_ =	shalt  }
0x75: {  	_ =	shalt  }
0x76: {  	_ =	shalt  }
0x77: {  	_ =	shalt  }
0x78: {  	_ =	shalt  }
0x79: {  	_ =	shalt  }
0x7a: {  	_ =	shalt  }
0x7b: {  	_ =	shalt  }
0x7c: {  	_ =	shalt  }
0x7d: {  	_ =	shalt  }
0x7e: {  	_ =	shalt  }
0x7f: {  	_ =	shalt  }
0x80: {  	_ =	shalt  }
0x81: {  	_ =	shalt  }
0x82: {  	_ =	shalt  }
0x83: {  	_ =	shalt  }
0x84: {  	_ =	shalt  }
0x85: {  	_ =	shalt  }
0x86: {  	_ =	shalt  }
0x87: {  	_ =	shalt  }
.Lfunc_end0:
.L_simem_size_0:
called_computation_lowered:
.L_overlay_start_0:
0x88: {  	s2 =	sld [smem:$0x3FD9]  }
0x89: {  	s3 =	sld [smem:$0x3FFE];
	_ =	sdelay $0x1  }
0x8a: {  	s1 =	srdreg.scid  }
0x8b: {  	s0 =	sand.u32 $0x1, s1  }
0x8c: {  	s14 =	sshll.u32 s0, $0xA;
	s2 =	sadd.s32 s3, s2  }
0x8d: {  	s2 =	sadd.s32 s2, s14  }
0x8e: {  	[smem:$0x3FC0] =	sst s2  }
0x8f: {  	_ = 	snop  }
0x90: {  	s2 =	sld [smem:$0x3FD0];
	_ =	sdelay $0x2  }
0x91: {  	s15 =	simm.s32 $0xA;
	s4 =	simm.s32 $0x10  }
0x92: {  	[smem:s4], [sflag:s15] =	dma.local [hbm:s2], $0x1  }
0x93: {  	_ =	swait.eq [sflag:s15], $0x1  }
0x94: {  	[sflag:s15] =	ssyncset.done $0x0  }
0x95: {  	[sflag:s15] =	ssyncadd.s32 $0xFFFFFFFF  }
0x96: {  	s16 =	sld [smem:$0x11];
	(tm) =	ssettm $0x1  }
0x97: {  	s17 =	sld [smem:$0x3FFB];
	_ =	sdelay $0x3  }
0x98: {  	_ =	strace s17  }
0x99: {  	s3 =	sld [smem:$0x3FFC];
	_ =	sdelay $0x3  }
0x9a: {  	_ =	strace s3  }
0x9b: {  	s3 =	sld [smem:$0x3FFD];
	_ =	sdelay $0x3  }
0x9c: {  	_ =	strace s3  }
0x9d: {  	_ =	strace $0x8FFFFFFF  }
0x9e: {  	s18 =	sld [smem:$0x3FDB];
	_ =	sdelay $0x1  }
0x9f: {  	s19 =	simm.s32 $_scs_section_size  }
0xa0: {  	s5 =	simm.s32 $_size__tile_overlayer_lowered;
	s6 =	simm.s32 $_tile_overlayer_lowered  }
0xa1: {  	s22 =	simm.s32 $0x1BFF;
	s21 =	sshll.u32 s6, $0x1;
	s3 =	sadd.s32 s19, s18  }
0xa2: {  	s7 =	simm.s32 $0x0;
	s20 =	sshll.u32 s5, $0x1;
	s5 =	sadd.s32 s21, s3  }
0xa3: {  	[timem:s7], [sflag:s22] =	dma.local [hbm:s5], s20  }
0xa4: {  	_ =	swait.ge [sflag:s22], s20  }
0xa5: {  	s4 =	ssub.s32 $0x0, s20;
	[sflag:s22] =	ssyncset.done $0x0  }
0xa6: {  	[sflag:s22] =	ssyncadd.s32 s4;
	_ =	sdelay $0x1  }
0xa7: {  	s23 =	simm.s32 $0x1B8B  }
0xa8: {  	_ =	swait.ge [sflag:s23], $0x1  }
0xa9: {  	[sflag:s23] =	ssyncset.done $0x0  }
0xaa: {  	s25 =	simm.s32 $0x1B8E;
	s24 =	sld [smem:$0x3FFE];
	[sflag:s23] =	ssyncadd.s32 $0xFFFFFFFF  }
0xab: {  	s26 =	simm.s32 $execute0_lowered;
	[smem:$0x3FD2] =	sst s25  }
0xac: {  	s5 =	sshll.u32 s26, $0x1;
	_ =	strace $0x80000046;
	[dreg:$0x1] =	wrdreg $0xFFFFFFFF  }
0xad: {  	s28 =	simm.s32 $_size_execute0_lowered;
	s3 =	sadd.s32 s3, s5;
	[dreg:$0x0] =	wrdreg $0x0  }
0xae: {  	s5 =	sshll.u32 s28, $0x1;
	[dreg:$0x2] =	wrdreg s3  }
0xaf: {  	[dreg:$0x3] =	wrdreg s5  }
0xb0: {  	[dreg:$0x4] =	wrdreg $0xC0  }
0xb1: {  	_ =	task [dreg:s7], $0x5FFFF  }
0xb2: {  	[dreg:$0x1] =	wrdreg $0xFFFFFFFF  }
0xb3: {  	[dreg:$0x0] =	wrdreg $0x60  }
0xb4: {  	[dreg:$0x2] =	wrdreg s16  }
0xb5: {  	[dreg:$0x3] =	wrdreg s24  }
0xb6: {  	[dreg:$0x4] =	wrdreg $0x43000  }
0xb7: {  	[dreg:$0x5] =	wrdreg $0x9  }
0xb8: {  	_ =	task.clear_ibuf [dreg:s7], $0x6FFFF;
	_ =	strace $0x90000046  }
0xb9: {  	s29 =	simm.s32 $0x9;
	_ =	strace $0x80000048  }
0xba: {  	_ =	swait.ge [sflag:s29], $0x1  }
0xbb: {  	[sflag:s29] =	ssyncadd.s32 $0xFFFFFFFF  }
0xbc: {  	_ =	strace $0x90000048  }
0xbd: {  	_ =	sfence  }
0xbe: {  	s30 =	sld [smem:$0x0];
	_ =	sdelay $0x2  }
0xbf: {  	s31 =	sshll.u32 s1, $0xD;
	s1 =	sshrl.u32 s1, $0x2  }
0xc0: {  	s3 =	sand.u32 $0x4000, s31;
	s1 =	sadd.s32 s1, s30  }
0xc1: {  	s0 =	sor.u32 s3, s0;
	s1 =	sshll.u32 s1, $0x11  }
0xc2: {  	s0 =	sor.u32 s1, s0  }
0xc3: {  	s0 =	sadd.s32 $0x8F2B, s0  }
0xc4: {  	[sflag:s0] =	ssyncadd.remote.s32 $0x1  }
0xc5: {  	_ =	sfence.sel $0xFFFF  }
0xc6: {  	[dreg:$0x0] =	wrdreg $0xFFFFFFFF;
	(pc) =	sbr.abs _section_cstart, $3  }
0xc7: {  	[dreg:$0x1] =	wrdreg $0xFFFFFFFF  }
0xc8: {  	_ =	task.clear_ibuf [dreg:s7], $0x2FFFF;
	_ =	strace $0x9FFFFFFF  }
0xc9: {  	(tm) =	ssettm $0x7FFFFFFF  }
tec
execute0_lowered:
.L_overlay_start_1:
0x0: {  	(tag) =	ssettag $0x1  }
0x1: {  	s4 =	rddreg [dreg:$0x0]  }
0x2: {  	s1 =	srdreg.scid;
	s5 =	rddreg [dreg:$0x1]  }
0x3: {  	s0 =	stileid.u32;
	s2 =	rddreg [dreg:$0x2];
	s3 =	simm.s32 $0x0  }
0x4: {  	s11 =	simm.s32 $0x4000;
	s6 =	sand.u32 $0x1, s1;
	s1 =	rddreg [dreg:$0x3]  }
0x5: {  	s12 =	simm.s32 $0x0;
	s7 =	smul.u32 $0x280, s0;
	[smem:$0x7FF] =	sst s3  }
0x6: {  	s10 =	sshll.u32 s0, $0xB;
	s8 =	smul.u32 $0x2800, s6;
	_ =	strace $0x80000047  }
0x7: {  	s9 =	ssub.s32 $0x2, s6;
	s30 =	sshll.u32 s6, $0xF;
	s31 =	sadd.s32 s4, s10  }
0x8: {  	s10 =	simm.s32 $0x50;
	s29 =	sshrl.u32 s9, $0x1;
	s8 =	sadd.s32 s7, s8  }
0x9: {  	s4 =	sadd.s32 s7, s2;
	s9 =	ssub.s32 s9, s29;
	s8 =	sshrl.u32 s8, $0x3  }
0xa: {  	s7 =	smax.u32 s9, $0x1;
	s9 =	simm.s32 $0x1;
	s8 =	sadd.s32 s8, s5  }
0xb: {  	v0 =	vimm.f32 $0.0e+00;
	v1 =	vimm.f32 $1.000000000e+00;
	s5 =	sadd.s32 s30, s31;
	s6 =	sadd.s32 $0xC000, s8;
	s8 =	simm.s32 $0x4080  }
.LBB2_1:
0xc: {  	[tilespmem:$0x4080] =	vst v0  }
0xd: {  	[tilespmem:$0x4090] =	vst v0  }
0xe: {  	[tilespmem:$0x40A0] =	vst v0  }
0xf: {  	[tilespmem:$0x40B0] =	vst v0  }
0x10: {  	[tilespmem:$0x40C0] =	vst v0  }
0x11: {  	[tilespmem:$0x40D0] =	vst v0  }
0x12: {  	[tilespmem:$0x40E0] =	vst v0  }
0x13: {  	[tilespmem:$0x40F0] =	vst v0  }
0x14: {  	[tilespmem:$0x4100] =	vst v0  }
0x15: {  	[tilespmem:$0x4110] =	vst v0  }
0x16: {  	[tilespmem:$0x4120] =	vst v0  }
0x17: {  	[tilespmem:$0x4130] =	vst v0  }
0x18: {  	[tilespmem:$0x4140] =	vst v0  }
0x19: {  	[tilespmem:$0x4150] =	vst v0  }
0x1a: {  	[tilespmem:$0x4160] =	vst v0  }
0x1b: {  	[tilespmem:$0x4170] =	vst v0  }
0x1c: {  	[tilespmem:$0x4180] =	vst v0  }
0x1d: {  	[tilespmem:$0x4190] =	vst v0  }
0x1e: {  	[tilespmem:$0x41A0] =	vst v0  }
0x1f: {  	[tilespmem:$0x41B0] =	vst v0  }
0x20: {  	[tilespmem:$0x41C0] =	vst v0  }
0x21: {  	[tilespmem:$0x41D0] =	vst v0  }
0x22: {  	[tilespmem:$0x41E0] =	vst v0  }
0x23: {  	[tilespmem:$0x41F0] =	vst v0  }
0x24: {  	[tilespmem:$0x4200] =	vst v0  }
0x25: {  	[tilespmem:$0x4210] =	vst v0  }
0x26: {  	[tilespmem:$0x4220] =	vst v0  }
0x27: {  	[tilespmem:$0x4230] =	vst v0  }
0x28: {  	[tilespmem:$0x4240] =	vst v0  }
0x29: {  	[tilespmem:$0x4250] =	vst v0  }
0x2a: {  	[tilespmem:$0x4260] =	vst v0  }
0x2b: {  	[tilespmem:$0x4270] =	vst v0  }
0x2c: {  	[tilespmem:$0x4280] =	vst v0  }
0x2d: {  	[tilespmem:$0x4290] =	vst v0  }
0x2e: {  	[tilespmem:$0x42A0] =	vst v0  }
0x2f: {  	[tilespmem:$0x42B0] =	vst v0  }
0x30: {  	[tilespmem:$0x42C0] =	vst v0  }
0x31: {  	[tilespmem:$0x42D0] =	vst v0  }
0x32: {  	[tilespmem:$0x42E0] =	vst v0  }
0x33: {  	[tilespmem:$0x42F0] =	vst v0  }
0x34: {  	[spmem:s4] =	stream.linear.scatter [tilespmem:s8], [sflag:$0x1], $0x280, $0x38;
	[tilespmem:$0x4580] =	vst v63  }
0x35: {  	_ =	swait.ge [sflag:s9], $0x280  }
0x36: {  	[sflag:s9] =	ssyncset.done $0x0  }
0x37: {  	[sflag:s9] =	ssyncadd.s32 $0xFFFFFD80  }
0x38: {  	[tilespmem:s3], [sflag:$0x1] =	stream.linear.gather [hbm4b:s5+s3], $0x3E80, $0x38;
	[tilespmem:$0x4580] =	vst v63  }
0x39: {  	_ =	swait.ge [sflag:s9], $0x3E80  }
0x3a: {  	[sflag:s9] =	ssyncset.done $0x0  }
0x3b: {  	[sflag:s9] =	ssyncadd.s32 $0xFFFFC180  }
0x3c: {  	[tilespmem:$0x4000] =	vst v1  }
0x3d: {  	[tilespmem:$0x4010] =	vst v1  }
0x3e: {  	[tilespmem:$0x4020] =	vst v1  }
0x3f: {  	[tilespmem:$0x4030] =	vst v1  }
0x40: {  	[tilespmem:$0x4040] =	vst v1  }
0x41: {  	s13 =	simm.s32 $0x0;
	[bflag:$0x0] =	sbarrier.arrive $0xFFFF  }
0x42: {  	[spmem:s2] =	stream.indirect.scatter.add.f32 [tilespmem:s11], [sflag:$0x1], $0x1, s13, s10, $0xb8;
	[tilespmem:$0x4580] =	vst v63  }
0x43: {  	_ =	swait.ge [sflag:s9], $0x50  }
0x44: {  	s13 =	simm.s32 $0x200;
	[sflag:s9] =	ssyncset.done $0x0  }
.LBB2_2:
0x45: {  	s14 =	sshra.s32 s13, $0x2;
	[sflag:s9] =	ssyncadd.s32 $0xFFFFFFB0;
	p0 =	sne.s32 s13, $0xF800  }
0x46: {  	[spmem:s2] =	stream.indirect.scatter.add.f32 [tilespmem:s11], [sflag:$0x1], $0x1, s14, s10, $0xb8;
	[tilespmem:$0x4580] =	vst v63  }
.Ltmp0:
0x47: {  	_ = 	snop;
	(pc) =	sbr.rel @p0 .LBB2_2-.Ltmp0, $4  }
0x48: {  	_ = 	snop  }
0x49: {  	s13 =	sadd.s32 $0x200, s13  }
0x4a: {  	_ =	swait.ge [sflag:s9], $0x50  }
0x4b: {  	[sflag:s9] =	ssyncset.done $0x0  }
0x4c: {  	[sflag:s9] =	ssyncadd.s32 $0xFFFFFFB0  }
0x4d: {  	[bflag:$0x0] =	sbarrier.arrive $0xFFFF  }
0x4e: {  	[tilespmem:s8], [sflag:$0x1] =	stream.linear.gather [spmem:s4], $0x280, $0x38;
	[tilespmem:$0x4580] =	vst v63  }
0x4f: {  	s12 =	sadd.s32 $0x1, s12;
	_ =	swait.ge [sflag:s9], $0x280  }
0x50: {  	p0 =	sne.s32 s12, s7;
	[sflag:s9] =	ssyncset.done $0x0  }
.Ltmp1:
0x51: {  	[sflag:s9] =	ssyncadd.s32 $0xFFFFFD80;
	(pc) =	sbr.rel @p0 .LBB2_1-.Ltmp1, $4  }
0x52: {  	[hbm4b:s6+s3] =	stream.linear.scatter [tilespmem:s8], [sflag:$0x1], $0x280, $0x38;
	[tilespmem:$0x4580] =	vst v63  }
0x53: {  	_ =	swait.ge [sflag:s9], $0x280  }
0x54: {  	[sflag:s9] =	ssyncset.done $0x0  }
0x55: {  	[sflag:s9] =	ssyncadd.s32 $0xFFFFFD80  }
0x56: {  	_ =	sfence.sel $0x180000  }
0x57: {  	[bflag:$0x0] =	sbarrier.arrive $0xFFFF  }
0x58: {  	p0 =	sne.s32 s0, $0x0;
	_ =	strace $0x90000047  }
0x59: {  	s0 =	sadd.s32 @!p0 $0x100000, s1;
	[bflag:$0x2] =	sbarrier.arrive $0xFFFF  }
0x5a: {  	[sflag:s0] =	ssyncadd.tile.s32 @!p0 $0x1;
	_ =	shalt  }
.Lfunc_end2:
_tile_overlayer_lowered:
.L_overlay_start_2:
0x5b: {  	(tag) =	ssettag $0x2  }
0x5c: {  	s0 =	rddreg [dreg:$0x0];
	s2 =	stileid.u32  }
0x5d: {  	s1 =	rddreg [dreg:$0x1];
	p0 =	sne.s32 s2, $0x0  }
0x5e: {  	s3 =	rddreg [dreg:$0x2];
	[bflag:$0x3] =	sbarrier.arrive $0xFFFF;
	s2 =	simm.s32 @!p0 $0x1C01  }
0x5f: {  	[timem:s3], [sflag:s2] =	dma.local @!p0 [hbm:s0], s1  }
0x60: {  	s0 =	simm.s32 @!p0 $0x1  }
0x61: {  	_ =	swait.ge @!p0 [sflag:s0], s1  }
0x62: {  	s1 =	ssub.s32 @!p0 $0x0, s1;
	[sflag:s0] =	ssyncset.done @!p0 $0x0  }
0x63: {  	[sflag:s0] =	ssyncadd.s32 @!p0 s1  }
0x64: {  	[bflag:$0x3] =	sbarrier.arrive $0xFFFF  }
0x65: {  	_ =	shalt  }

</sc_bundles>
